<compile_context>
chip_gen: v7x
topology: tpu7x:2x2x1
jax: 0.10.2.dev20260603
libtpu: 0.0.44.dev20260713+nightly
codegen_flags: <defaults>
</compile_context>

<pallas_src>
import functools

import jax
import jax.numpy as jnp
from jax import lax
from jax.experimental import pallas as pl
from jax.experimental.pallas import tpu as pltpu
from jax.experimental.pallas import tpu_sc as plsc

B = 8
N = 4096
S = 512
K = 32
R2 = 0.2 ** 2
F_IN = 128
F_MID = 256
F_OUT = 512


def _fps_body(initf_ref, x_ref, y_ref, z_ref, idx_ref, cx_ref, cy_ref, cz_ref):
    x = x_ref[...]
    y = y_ref[...]
    z = z_ref[...]
    iota = lax.broadcasted_iota(jnp.int32, (B, N), 1)
    iota_s = lax.broadcasted_iota(jnp.int32, (B, S), 1)

    def step(i, carry):
        distance, far, aidx, acx, acy, acz = carry
        onehot = iota == far
        cx = jnp.sum(jnp.where(onehot, x, 0.0), axis=1, keepdims=True)
        cy = jnp.sum(jnp.where(onehot, y, 0.0), axis=1, keepdims=True)
        cz = jnp.sum(jnp.where(onehot, z, 0.0), axis=1, keepdims=True)
        hit = iota_s == i
        aidx = jnp.where(hit, far, aidx)
        acx = jnp.where(hit, cx, acx)
        acy = jnp.where(hit, cy, acy)
        acz = jnp.where(hit, cz, acz)
        dx = x - cx
        dy = y - cy
        dz = z - cz
        d = (dx * dx + dy * dy) + dz * dz
        distance = jnp.minimum(distance, d)
        m = jnp.max(distance, axis=1, keepdims=True)
        far_new = jnp.min(jnp.where(distance == m, iota, N), axis=1,
                          keepdims=True)
        return distance, far_new, aidx, acx, acy, acz

    dist0 = jnp.full((B, N), 1e10, dtype=jnp.float32)
    far0 = initf_ref[:, 0:1]
    zi = jnp.zeros((B, S), jnp.int32)
    zf = jnp.zeros((B, S), jnp.float32)
    _, _, aidx, acx, acy, acz = lax.fori_loop(
        0, S, step, (dist0, far0, zi, zf, zf, zf))
    idx_ref[...] = aidx
    cx_ref[...] = acx
    cy_ref[...] = acy
    cz_ref[...] = acz


def _run_fps(xT, init_far):
    out_shapes = (
        jax.ShapeDtypeStruct((B, S), jnp.int32),
        jax.ShapeDtypeStruct((B, S), jnp.float32),
        jax.ShapeDtypeStruct((B, S), jnp.float32),
        jax.ShapeDtypeStruct((B, S), jnp.float32),
    )
    return pl.pallas_call(
        _fps_body,
        out_shape=out_shapes,
    )(init_far, xT[:, 0], xT[:, 1], xT[:, 2])


def _px_body(pts_ref, a8_ref, w1p_ref, w1x_ref, b1_ref, out_ref):
    acc = jnp.dot(pts_ref[...], w1p_ref[...],
                  preferred_element_type=jnp.float32)
    acc = acc + jnp.dot(a8_ref[...], w1x_ref[...],
                        preferred_element_type=jnp.float32)
    bq = (acc + b1_ref[...]).astype(jnp.bfloat16).astype(jnp.float32)
    u = lax.bitcast_convert_type(bq, jnp.uint32)
    lo = u[:, :128] >> 16
    hi = (u[:, 128:] >> 16) << 16
    out_ref[...] = hi | lo


def _run_px(points_flat, xyz8, W1p, W1x8, b1):
    bm = 1024
    grid = (B * N // bm,)
    return pl.pallas_call(
        _px_body,
        grid=grid,
        compiler_params=pltpu.CompilerParams(
            dimension_semantics=("parallel",)),
        in_specs=[
            pl.BlockSpec((bm, F_IN), lambda i: (i, 0)),
            pl.BlockSpec((bm, 8), lambda i: (i, 0)),
            pl.BlockSpec((F_IN, F_MID), lambda i: (0, 0)),
            pl.BlockSpec((8, F_MID), lambda i: (0, 0)),
            pl.BlockSpec((1, F_MID), lambda i: (0, 0)),
        ],
        out_specs=pl.BlockSpec((bm, F_MID // 2), lambda i: (i, 0)),
        out_shape=jax.ShapeDtypeStruct((B * N, F_MID // 2), jnp.uint32),
    )(points_flat, xyz8, W1p, W1x8, b1)


def _bq_body(x_ref, y_ref, z_ref, xb8_ref, cx_ref, cy_ref, cz_ref, out_ref,
             s_scr):
    b = pl.program_id(0)
    x = x_ref[0]
    y = y_ref[0]
    z = z_ref[0]
    xb8 = xb8_ref[0]
    pn = (x * x + y * y) + z * z
    cb = jnp.concatenate(
        [cx_ref[0], cy_ref[0], cz_ref[0], jnp.zeros((S, 5), jnp.float32)],
        axis=1).astype(jnp.bfloat16)
    s_scr[...] = jnp.dot(cb, xb8, preferred_element_type=jnp.float32)

    RW = 64

    def chunk(sc, _):
        r = pl.ds(pl.multiple_of(sc * RW, RW), RW)
        cx = cx_ref[0, r, :]
        cy = cy_ref[0, r, :]
        cz = cz_ref[0, r, :]
        cn = (cx * cx + cy * cy) + cz * cz
        s = s_scr[r, :]
        d = (-2.0 * s + cn) + pn
        m = (d <= R2).astype(jnp.int32)
        cs = m
        sh = 1
        while sh < N:
            z128 = jnp.zeros((RW, sh), jnp.int32)
            cs = cs + jnp.concatenate([z128, cs[:, :-sh]], axis=1)
            sh *= 2
        cols = []
        for k in range(K):
            cols.append(jnp.sum((cs <= k).astype(jnp.int32), axis=1))
        cnt = jnp.stack(cols, axis=1)
        first = cnt[:, 0:1]
        sel = jnp.where(cnt == N, first, cnt) + b * N
        out_ref[0, r, :] = sel
        return 0

    lax.fori_loop(0, S // RW, chunk, 0)


def _run_bq(xT, xb8, cx, cy, cz):
    return pl.pallas_call(
        _bq_body,
        grid=(B,),
        compiler_params=pltpu.CompilerParams(
            dimension_semantics=("parallel",)),
        in_specs=[
            pl.BlockSpec((1, 1, N), lambda b: (b, 0, 0)),
            pl.BlockSpec((1, 1, N), lambda b: (b, 0, 0)),
            pl.BlockSpec((1, 1, N), lambda b: (b, 0, 0)),
            pl.BlockSpec((1, 8, N), lambda b: (b, 0, 0)),
            pl.BlockSpec((1, S, 1), lambda b: (b, 0, 0)),
            pl.BlockSpec((1, S, 1), lambda b: (b, 0, 0)),
            pl.BlockSpec((1, S, 1), lambda b: (b, 0, 0)),
        ],
        out_specs=pl.BlockSpec((1, S, K), lambda b: (b, 0, 0)),
        out_shape=jax.ShapeDtypeStruct((B, S, K), jnp.int32),
        scratch_shapes=[pltpu.VMEM((S, N), jnp.float32)],
    )(xT[:, 0:1], xT[:, 1:2], xT[:, 2:3], xb8,
      cx.reshape(B, S, 1), cy.reshape(B, S, 1), cz.reshape(B, S, 1))


def _run_sc_gather(px_flat, gidx_flat, pts_flat, fps_flat):
    NW = 32
    G_ROWS = B * S * K
    CH = 128
    g_per_w = G_ROWS // NW
    id_per_w = B * S // NW
    mesh = plsc.VectorSubcoreMesh(core_axis_name="c", subcore_axis_name="s")

    @functools.partial(
        pl.kernel,
        mesh=mesh,
        out_type=[
            jax.ShapeDtypeStruct((G_ROWS, F_MID // 2), jnp.uint32),
            jax.ShapeDtypeStruct((B * S, F_IN), jnp.float32),
        ],
        scratch_types=[
            pltpu.VMEM((CH,), jnp.int32),
            pltpu.VMEM((CH, F_MID // 2), jnp.uint32),
            pltpu.VMEM((id_per_w,), jnp.int32),
            pltpu.VMEM((id_per_w, F_IN), jnp.float32),
            pltpu.SemaphoreType.DMA,
        ],
    )
    def sc_gather(px_hbm, gidx_hbm, pts_hbm, fps_hbm, g_out, id_out,
                  idx_v, rows_v, idx2_v, rows2_v, sem):
        wid = lax.axis_index("s") * 2 + lax.axis_index("c")

        base2 = wid * id_per_w
        pltpu.sync_copy(fps_hbm.at[pl.ds(base2, id_per_w)], idx2_v)
        pltpu.async_copy(pts_hbm.at[idx2_v], rows2_v, sem).wait()
        pltpu.sync_copy(rows2_v, id_out.at[pl.ds(base2, id_per_w)])

        def body(c, _):
            base = wid * g_per_w + c * CH
            pltpu.sync_copy(gidx_hbm.at[pl.ds(base, CH)], idx_v)
            pltpu.async_copy(px_hbm.at[idx_v], rows_v, sem).wait()
            pltpu.sync_copy(rows_v, g_out.at[pl.ds(base, CH)])
            return 0

        lax.fori_loop(0, g_per_w // CH, body, 0)

    return sc_gather(px_flat, gidx_flat, pts_flat, fps_flat)


def _mlp_body(g_ref, n8_ref, id_ref, w1x_ref, w2_ref, wsk_ref, b2_ref,
              bsk_ref, out_ref):
    SB = n8_ref.shape[1]
    c1 = jnp.dot(n8_ref[0], w1x_ref[...],
                 preferred_element_type=jnp.float32)
    gu = g_ref[0]
    f_lo = lax.bitcast_convert_type(gu << 16, jnp.float32)
    f_hi = lax.bitcast_convert_type((gu >> 16) << 16, jnp.float32)
    g = jnp.concatenate([f_lo, f_hi], axis=1).reshape(SB, K, F_MID)
    h1 = jnp.maximum(g - c1[:, None, :], 0.0).reshape(SB * K, F_MID)
    h2 = jnp.dot(h1.astype(jnp.bfloat16), w2_ref[...].astype(jnp.bfloat16),
                 preferred_element_type=jnp.float32)
    m = jnp.max(h2.reshape(SB, K, F_OUT), axis=1)
    skip = jnp.dot(id_ref[0].astype(jnp.bfloat16),
                   wsk_ref[...].astype(jnp.bfloat16),
                   preferred_element_type=jnp.float32)
    out_ref[0] = jnp.maximum(m + b2_ref[...] + skip + bsk_ref[...], 0.0)


def _run_mlp(g, nxyz8, identity, W1x8, W2, Wskip, b2, bskip):
    SB = 32
    grid = (B, S // SB)
    return pl.pallas_call(
        _mlp_body,
        grid=grid,
        compiler_params=pltpu.CompilerParams(
            dimension_semantics=("parallel", "parallel")),
        in_specs=[
            pl.BlockSpec((1, SB * K, F_MID // 2), lambda b, s: (b, s, 0)),
            pl.BlockSpec((1, SB, 8), lambda b, s: (b, s, 0)),
            pl.BlockSpec((1, SB, F_IN), lambda b, s: (b, s, 0)),
            pl.BlockSpec((8, F_MID), lambda b, s: (0, 0)),
            pl.BlockSpec((F_MID, F_OUT), lambda b, s: (0, 0)),
            pl.BlockSpec((F_IN, F_OUT), lambda b, s: (0, 0)),
            pl.BlockSpec((1, F_OUT), lambda b, s: (0, 0)),
            pl.BlockSpec((1, F_OUT), lambda b, s: (0, 0)),
        ],
        out_specs=pl.BlockSpec((1, SB, F_OUT), lambda b, s: (b, s, 0)),
        out_shape=jax.ShapeDtypeStruct((B, S, F_OUT), jnp.float32),
    )(g, nxyz8, identity, W1x8, W2, Wskip, b2, bskip)


def kernel(xyz, points, W1, b1, W2, b2, Wskip, bskip):
    fps_key = jax.random.key(42)
    init_far = jax.random.randint(fps_key, (B,), 0, N, dtype=jnp.int32)
    init_far = jnp.broadcast_to(init_far[:, None], (B, 128))

    xT = jnp.transpose(xyz, (0, 2, 1))
    fps_idx, cx, cy, cz = _run_fps(xT, init_far)
    new_xyz = jnp.stack([cx, cy, cz], axis=-1)

    W1x = W1[:3]
    W1p = W1[3:]
    W1x8 = jnp.pad(W1x, ((0, 5), (0, 0)))
    xyz8 = jnp.pad(xyz.reshape(B * N, 3), ((0, 0), (0, 5)))
    px = _run_px(points.reshape(B * N, F_IN), xyz8, W1p, W1x8,
                 b1.reshape(1, F_MID))

    xb8 = jnp.concatenate(
        [xT.astype(jnp.bfloat16),
         jnp.zeros((B, 5, N), jnp.bfloat16)], axis=1)
    gidx = _run_bq(xT, xb8, cx, cy, cz)
    fps_flat = (fps_idx + jnp.arange(B, dtype=jnp.int32)[:, None] * N)

    g_flat, id_flat = _run_sc_gather(
        px, gidx.reshape(B * S * K), points.reshape(B * N, F_IN),
        fps_flat.reshape(B * S))

    nxyz8 = jnp.pad(new_xyz, ((0, 0), (0, 0), (0, 5)))
    x = _run_mlp(g_flat.reshape(B, S * K, F_MID // 2), nxyz8,
                 id_flat.reshape(B, S, F_IN), W1x8, W2, Wskip,
                 b2.reshape(1, F_OUT), bskip.reshape(1, F_OUT))
    return (new_xyz, x)

# --- scband reference (transcript-rebuilt; emitter-appended) ---
"""Pipeline reference for scband-set-abstraction-41154376630662 (READ-ONLY COPY).

The authoritative reference and input builder live on the scoring server;
editing this copy changes nothing except your own understanding.
"""

import jax, jax.numpy as jnp
import numpy as np

RADIUS = 0.2
NSAMPLE = 32
STRIDE = 8

def index_points(points, idx):
    B = points.shape[0]
    idx_flat = idx.reshape(B, -1)
    out = jnp.take_along_axis(points, idx_flat[:, :, None], axis=1)
    return out.reshape(idx.shape + (points.shape[-1],))

def square_distance(src, dst):
    dist = -2.0 * jnp.matmul(src, jnp.transpose(dst, (0, 2, 1)))
    dist = dist + jnp.sum(src ** 2, -1)[:, :, None]
    dist = dist + jnp.sum(dst ** 2, -1)[:, None, :]
    return dist

def farthest_point_sample(xyz, npoint, key):
    B, N, _ = xyz.shape
    farthest = jax.random.randint(key, (B,), 0, N, dtype=jnp.int32)
    distance = jnp.full((B, N), 1e10, dtype=xyz.dtype)
    centroids = jnp.zeros((B, npoint), dtype=jnp.int32)
    batch = jnp.arange(B)
    def body(i, carry):
        centroids, distance, farthest = carry
        centroids = centroids.at[:, i].set(farthest)
        centroid = xyz[batch, farthest][:, None, :]
        dist = jnp.sum((xyz - centroid) ** 2, -1)
        distance = jnp.minimum(distance, dist)
        farthest = jnp.argmax(distance, -1).astype(jnp.int32)
        return (centroids, distance, farthest)
    centroids, _, _ = jax.lax.fori_loop(0, npoint, body, (centroids, distance, farthest))
    return centroids

def query_ball_point(radius, nsample, xyz, new_xyz):
    B, N, _ = xyz.shape
    S = new_xyz.shape[1]
    group_idx = jnp.broadcast_to(jnp.arange(N, dtype=jnp.int32)[None, None, :], (B, S, N))
    sqrdists = square_distance(new_xyz, xyz)
    group_idx = jnp.where(sqrdists > radius ** 2, N, group_idx)
    group_idx = jnp.sort(group_idx, axis=-1)[:, :, :nsample]
    group_first = jnp.broadcast_to(group_idx[:, :, :1], group_idx.shape)
    group_idx = jnp.where(group_idx == N, group_first, group_idx)
    return group_idx

def setup_inputs(seed: int = 0):
    key = jax.random.key(seed)
    ks = jax.random.split(key, 6)
    xyz = jax.random.uniform(ks[0], (8, 4096, 3), dtype=jnp.float32)
    points = jax.random.normal(ks[1], (8, 4096, 128), dtype=jnp.float32)
    W1 = jax.random.normal(ks[2], (131, 256), dtype=jnp.float32) * 0.05
    b1 = jnp.zeros((256,), dtype=jnp.float32)
    W2 = jax.random.normal(ks[3], (256, 512), dtype=jnp.float32) * 0.05
    b2 = jnp.zeros((512,), dtype=jnp.float32)
    Wskip = jax.random.normal(ks[4], (128, 512), dtype=jnp.float32) * 0.05
    bskip = jnp.zeros((512,), dtype=jnp.float32)
    return {'xyz': xyz, 'points': points, 'W1': W1, 'b1': b1, 'W2': W2, 'b2': b2, 'Wskip': Wskip, 'bskip': bskip}

def reference(xyz, points, W1, b1, W2, b2, Wskip, bskip):
    B, N, C = xyz.shape
    S = N // STRIDE
    fps_key = jax.random.key(42)
    fps_idx = farthest_point_sample(xyz, S, fps_key)
    new_xyz = index_points(xyz, fps_idx)
    identity = index_points(points, fps_idx)
    idx = query_ball_point(RADIUS, NSAMPLE, xyz, new_xyz)
    grouped_xyz = index_points(xyz, idx)
    grouped_xyz_norm = grouped_xyz - new_xyz[:, :, None, :]
    grouped_points = index_points(points, idx)
    new_points = jnp.concatenate([grouped_xyz_norm, grouped_points], axis=-1)
    h = jax.nn.relu(jnp.matmul(new_points, W1) + b1)
    h = jnp.matmul(h, W2) + b2
    x = jnp.max(h, axis=2)
    skip = jnp.matmul(identity, Wskip) + bskip
    x = jax.nn.relu(x + skip)
    return (new_xyz, x)

if __name__ == "__main__":
    import jax
    _d = setup_inputs()
    print(jax.jit(kernel)(*tuple(_d.values())))

</pallas_src>

<mosaic_0001>
#map = affine_map<(d0, d1) -> (0, 0)>
#map1 = affine_map<(d0, d1) -> (0)>
module attributes {stable_mosaic.version = 14 : i64} {
  func.func @sc_gather(%arg0: i32, %arg1: i32, %arg2: memref<32768x128xi32, #tpu.memory_space<hbm>>, %arg3: memref<131072xi32, #tpu.memory_space<hbm>>, %arg4: memref<32768x128xf32, #tpu.memory_space<hbm>>, %arg5: memref<4096xi32, #tpu.memory_space<hbm>>, %arg6: memref<131072x128xi32, #tpu.memory_space<hbm>>, %arg7: memref<4096x128xf32, #tpu.memory_space<hbm>>, %arg8: memref<128xi32, #tpu.memory_space<vmem>>, %arg9: memref<128x128xi32, #tpu.memory_space<vmem>>, %arg10: memref<128xi32, #tpu.memory_space<vmem>>, %arg11: memref<128x128xf32, #tpu.memory_space<vmem>>, %arg12: memref<!tpu.dma_semaphore, #tpu.memory_space<semaphore_mem>>) attributes {dimension_semantics = [#tpu.dimension_semantics<core_parallel>, #tpu.dimension_semantics<subcore_parallel>], iteration_bounds = array<i64: 2, 16>, scalar_prefetch = 0 : i64, scratch_operands = 5 : i64, tpu.core_type = #tpu.core_type<sc_vector_subcore>, window_params = [{transform_indices = #map}, {transform_indices = #map1}, {transform_indices = #map}, {transform_indices = #map1}, {transform_indices = #map}, {transform_indices = #map}]} {
    %mul3A = arith.constant 2 : i32
    %mul3A_0 = arith.muli %arg1, %mul3A : i32
    %add3A = arith.addi %mul3A_0, %arg0 : i32
    %mul3A_1 = arith.constant 128 : i32
    %mul3A_2 = arith.muli %add3A, %mul3A_1 : i32
    "tpu.region"() ({
      %run_scoped3A = tpu.sem_alloc : memref<!tpu.dma_semaphore, #tpu.memory_space<semaphore_mem>>
      %dma_start3A_13 = tpu.memref_slice %arg5[%mul3A_2] : memref<4096xi32, #tpu.memory_space<hbm>> -> memref<128xi32, #tpu.memory_space<hbm>>
      %dma_start3A_14 = tpu.memref_slice %arg5[%mul3A_2] : memref<4096xi32, #tpu.memory_space<hbm>> -> memref<128xi32, #tpu.memory_space<hbm>>
      tpu.enqueue_dma source(%dma_start3A_14 : memref<128xi32, #tpu.memory_space<hbm>>) target(%arg10 : memref<128xi32, #tpu.memory_space<vmem>>) target_semaphore(%run_scoped3A : memref<!tpu.dma_semaphore, #tpu.memory_space<semaphore_mem>>)
      %dma_wait3A_15 = tpu.memref_slice %arg5[%mul3A_2] : memref<4096xi32, #tpu.memory_space<hbm>> -> memref<128xi32, #tpu.memory_space<hbm>>
      %dma_wait3A_16 = tpu.memref_slice %arg5[%mul3A_2] : memref<4096xi32, #tpu.memory_space<hbm>> -> memref<128xi32, #tpu.memory_space<hbm>>
      tpu.wait_dma2 semaphore(%run_scoped3A : memref<!tpu.dma_semaphore, #tpu.memory_space<semaphore_mem>>) src(%dma_wait3A_16 : memref<128xi32, #tpu.memory_space<hbm>>) dst(%arg10 : memref<128xi32, #tpu.memory_space<vmem>>)
      tpu.yield
    }) : () -> ()
    %dma_start3A = arith.constant 0 : i32
    %dma_start3A_3 = arith.constant 0 : i32
    %dma_start3A_4 = tpu.memref_slice %arg4[%dma_start3A, %dma_start3A_3] : memref<32768x128xf32, #tpu.memory_space<hbm>> -> memref<32768x128xf32, #tpu.memory_space<hbm>>
    tpu.enqueue_indirect_dma source(%dma_start3A_4 : memref<32768x128xf32, #tpu.memory_space<hbm>>) target(%arg11 : memref<128x128xf32, #tpu.memory_space<vmem>>) offsets(%arg10 : memref<128xi32, #tpu.memory_space<vmem>>) semaphore(%arg12 : memref<!tpu.dma_semaphore, #tpu.memory_space<semaphore_mem>>)
    %dma_wait3A = arith.constant 0 : i32
    %dma_wait3A_5 = arith.constant 0 : i32
    %dma_wait3A_6 = tpu.memref_slice %arg4[%dma_wait3A, %dma_wait3A_5] : memref<32768x128xf32, #tpu.memory_space<hbm>> -> memref<32768x128xf32, #tpu.memory_space<hbm>>
    tpu.wait_indirect_dma semaphore(%arg12 : memref<!tpu.dma_semaphore, #tpu.memory_space<semaphore_mem>>) src(%dma_wait3A_6 : memref<32768x128xf32, #tpu.memory_space<hbm>>) dst(%arg11 : memref<128x128xf32, #tpu.memory_space<vmem>>)
    "tpu.region"() ({
      %run_scoped3A = tpu.sem_alloc : memref<!tpu.dma_semaphore, #tpu.memory_space<semaphore_mem>>
      %dma_start3A_13 = arith.constant 0 : i32
      %dma_start3A_14 = tpu.memref_slice %arg7[%mul3A_2, %dma_start3A_13] : memref<4096x128xf32, #tpu.memory_space<hbm>> -> memref<128x128xf32, #tpu.memory_space<hbm>>
      %dma_start3A_15 = arith.constant 0 : i32
      %dma_start3A_16 = tpu.memref_slice %arg7[%mul3A_2, %dma_start3A_15] : memref<4096x128xf32, #tpu.memory_space<hbm>> -> memref<128x128xf32, #tpu.memory_space<hbm>>
      tpu.enqueue_dma source(%arg11 : memref<128x128xf32, #tpu.memory_space<vmem>>) target(%dma_start3A_16 : memref<128x128xf32, #tpu.memory_space<hbm>>) target_semaphore(%run_scoped3A : memref<!tpu.dma_semaphore, #tpu.memory_space<semaphore_mem>>)
      %dma_wait3A_17 = arith.constant 0 : i32
      %dma_wait3A_18 = tpu.memref_slice %arg7[%mul3A_2, %dma_wait3A_17] : memref<4096x128xf32, #tpu.memory_space<hbm>> -> memref<128x128xf32, #tpu.memory_space<hbm>>
      %dma_wait3A_19 = arith.constant 0 : i32
      %dma_wait3A_20 = tpu.memref_slice %arg7[%mul3A_2, %dma_wait3A_19] : memref<4096x128xf32, #tpu.memory_space<hbm>> -> memref<128x128xf32, #tpu.memory_space<hbm>>
      tpu.wait_dma2 semaphore(%run_scoped3A : memref<!tpu.dma_semaphore, #tpu.memory_space<semaphore_mem>>) src(%arg11 : memref<128x128xf32, #tpu.memory_space<vmem>>) dst(%dma_wait3A_20 : memref<128x128xf32, #tpu.memory_space<hbm>>)
      tpu.yield
    }) : () -> ()
    %scan3A = arith.constant 0 : i32
    %scan3A_7 = arith.constant 0 : i32
    %scan3A_8 = arith.constant 32 : i32
    %scan3A_9 = arith.addi %scan3A_7, %scan3A_8 : i32
    %scan3A_10 = arith.constant 1 : i32
    %scan3A_11 = scf.for %scan3A_13 = %scan3A_7 to %scan3A_9 step %scan3A_10 iter_args(%scan3A_14 = %scan3A) -> (i32)  : i32 {
      %mul3A_15 = arith.constant 4096 : i32
      %mul3A_16 = arith.muli %add3A, %mul3A_15 : i32
      %mul3A_17 = arith.constant 128 : i32
      %mul3A_18 = arith.muli %scan3A_13, %mul3A_17 : i32
      %add3A_19 = arith.addi %mul3A_16, %mul3A_18 : i32
      "tpu.region"() ({
        %run_scoped3A = tpu.sem_alloc : memref<!tpu.dma_semaphore, #tpu.memory_space<semaphore_mem>>
        %dma_start3A_27 = tpu.memref_slice %arg3[%add3A_19] : memref<131072xi32, #tpu.memory_space<hbm>> -> memref<128xi32, #tpu.memory_space<hbm>>
        %dma_start3A_28 = tpu.memref_slice %arg3[%add3A_19] : memref<131072xi32, #tpu.memory_space<hbm>> -> memref<128xi32, #tpu.memory_space<hbm>>
        tpu.enqueue_dma source(%dma_start3A_28 : memref<128xi32, #tpu.memory_space<hbm>>) target(%arg8 : memref<128xi32, #tpu.memory_space<vmem>>) target_semaphore(%run_scoped3A : memref<!tpu.dma_semaphore, #tpu.memory_space<semaphore_mem>>)
        %dma_wait3A_29 = tpu.memref_slice %arg3[%add3A_19] : memref<131072xi32, #tpu.memory_space<hbm>> -> memref<128xi32, #tpu.memory_space<hbm>>
        %dma_wait3A_30 = tpu.memref_slice %arg3[%add3A_19] : memref<131072xi32, #tpu.memory_space<hbm>> -> memref<128xi32, #tpu.memory_space<hbm>>
        tpu.wait_dma2 semaphore(%run_scoped3A : memref<!tpu.dma_semaphore, #tpu.memory_space<semaphore_mem>>) src(%dma_wait3A_30 : memref<128xi32, #tpu.memory_space<hbm>>) dst(%arg8 : memref<128xi32, #tpu.memory_space<vmem>>)
        tpu.yield
      }) : () -> ()
      %dma_start3A_20 = arith.constant 0 : i32
      %dma_start3A_21 = arith.constant 0 : i32
      %dma_start3A_22 = tpu.memref_slice %arg2[%dma_start3A_20, %dma_start3A_21] : memref<32768x128xi32, #tpu.memory_space<hbm>> -> memref<32768x128xi32, #tpu.memory_space<hbm>>
      tpu.enqueue_indirect_dma source(%dma_start3A_22 : memref<32768x128xi32, #tpu.memory_space<hbm>>) target(%arg9 : memref<128x128xi32, #tpu.memory_space<vmem>>) offsets(%arg8 : memref<128xi32, #tpu.memory_space<vmem>>) semaphore(%arg12 : memref<!tpu.dma_semaphore, #tpu.memory_space<semaphore_mem>>)
      %dma_wait3A_23 = arith.constant 0 : i32
      %dma_wait3A_24 = arith.constant 0 : i32
      %dma_wait3A_25 = tpu.memref_slice %arg2[%dma_wait3A_23, %dma_wait3A_24] : memref<32768x128xi32, #tpu.memory_space<hbm>> -> memref<32768x128xi32, #tpu.memory_space<hbm>>
      tpu.wait_indirect_dma semaphore(%arg12 : memref<!tpu.dma_semaphore, #tpu.memory_space<semaphore_mem>>) src(%dma_wait3A_25 : memref<32768x128xi32, #tpu.memory_space<hbm>>) dst(%arg9 : memref<128x128xi32, #tpu.memory_space<vmem>>)
      "tpu.region"() ({
        %run_scoped3A = tpu.sem_alloc : memref<!tpu.dma_semaphore, #tpu.memory_space<semaphore_mem>>
        %dma_start3A_27 = arith.constant 0 : i32
        %dma_start3A_28 = tpu.memref_slice %arg6[%add3A_19, %dma_start3A_27] : memref<131072x128xi32, #tpu.memory_space<hbm>> -> memref<128x128xi32, #tpu.memory_space<hbm>>
        %dma_start3A_29 = arith.constant 0 : i32
        %dma_start3A_30 = tpu.memref_slice %arg6[%add3A_19, %dma_start3A_29] : memref<131072x128xi32, #tpu.memory_space<hbm>> -> memref<128x128xi32, #tpu.memory_space<hbm>>
        tpu.enqueue_dma source(%arg9 : memref<128x128xi32, #tpu.memory_space<vmem>>) target(%dma_start3A_30 : memref<128x128xi32, #tpu.memory_space<hbm>>) target_semaphore(%run_scoped3A : memref<!tpu.dma_semaphore, #tpu.memory_space<semaphore_mem>>)
        %dma_wait3A_31 = arith.constant 0 : i32
        %dma_wait3A_32 = tpu.memref_slice %arg6[%add3A_19, %dma_wait3A_31] : memref<131072x128xi32, #tpu.memory_space<hbm>> -> memref<128x128xi32, #tpu.memory_space<hbm>>
        %dma_wait3A_33 = arith.constant 0 : i32
        %dma_wait3A_34 = tpu.memref_slice %arg6[%add3A_19, %dma_wait3A_33] : memref<131072x128xi32, #tpu.memory_space<hbm>> -> memref<128x128xi32, #tpu.memory_space<hbm>>
        tpu.wait_dma2 semaphore(%run_scoped3A : memref<!tpu.dma_semaphore, #tpu.memory_space<semaphore_mem>>) src(%arg9 : memref<128x128xi32, #tpu.memory_space<vmem>>) dst(%dma_wait3A_34 : memref<128x128xi32, #tpu.memory_space<hbm>>)
        tpu.yield
      }) : () -> ()
      %scan3A_26 = arith.constant 0 : i32
      scf.yield %scan3A_26 : i32
    }
    %scan3A_12 = arith.constant 32 : i32
    return
  }
}

module attributes {stable_mosaic.version = 14 : i64} {
  func.func @_fps_body(%arg0: memref<8x128xi32, #tpu.memory_space<vmem>>, %arg1: memref<8x4096xf32, #tpu.memory_space<vmem>>, %arg2: memref<8x4096xf32, #tpu.memory_space<vmem>>, %arg3: memref<8x4096xf32, #tpu.memory_space<vmem>>, %arg4: memref<8x512xi32, #tpu.memory_space<vmem>>, %arg5: memref<8x512xf32, #tpu.memory_space<vmem>>, %arg6: memref<8x512xf32, #tpu.memory_space<vmem>>, %arg7: memref<8x512xf32, #tpu.memory_space<vmem>>) attributes {dimension_semantics = [], scalar_prefetch = 0 : i64, scratch_operands = 0 : i64, tpu.core_type = #tpu.core_type<tc>} {
    %get3A = arith.constant 0 : index
    %get3A_0 = arith.constant 0 : index
    %get3A_1 = vector.load %arg1[%get3A, %get3A_0] : memref<8x4096xf32, #tpu.memory_space<vmem>>, vector<8x4096xf32>
    %get3A_2 = arith.constant 0 : index
    %get3A_3 = arith.constant 0 : index
    %get3A_4 = vector.load %arg2[%get3A_2, %get3A_3] : memref<8x4096xf32, #tpu.memory_space<vmem>>, vector<8x4096xf32>
    %get3A_5 = arith.constant 0 : index
    %get3A_6 = arith.constant 0 : index
    %get3A_7 = vector.load %arg3[%get3A_5, %get3A_6] : memref<8x4096xf32, #tpu.memory_space<vmem>>, vector<8x4096xf32>
    %iota3A = tpu.iota {dimensions = array<i32: 1>} : vector<8x4096xi32>
    %iota3A_8 = tpu.iota {dimensions = array<i32: 1>} : vector<8x512xi32>
    %broadcast_in_dim3A = arith.constant 1.000000e+10 : f32
    %broadcast_in_dim3A_9 = vector.broadcast %broadcast_in_dim3A : f32 to vector<8x4096xf32>
    %get3A_10 = arith.constant 0 : index
    %get3A_11 = arith.constant 0 : index
    %get3A_12 = vector.load %arg0[%get3A_10, %get3A_11] : memref<8x128xi32, #tpu.memory_space<vmem>>, vector<8x1xi32>
    %broadcast_in_dim3A_13 = arith.constant 0 : i32
    %broadcast_in_dim3A_14 = vector.broadcast %broadcast_in_dim3A_13 : i32 to vector<8x512xi32>
    %broadcast_in_dim3A_15 = arith.constant 0.000000e+00 : f32
    %broadcast_in_dim3A_16 = vector.broadcast %broadcast_in_dim3A_15 : f32 to vector<8x512xf32>
    %scan3A = arith.constant 0 : i32
    %scan3A_17 = arith.constant 512 : i32
    %scan3A_18 = arith.addi %scan3A, %scan3A_17 : i32
    %scan3A_19 = arith.constant 1 : i32
    %scan3A_20:6 = scf.for %scan3A_33 = %scan3A to %scan3A_18 step %scan3A_19 iter_args(%scan3A_34 = %broadcast_in_dim3A_9, %scan3A_35 = %get3A_12, %scan3A_36 = %broadcast_in_dim3A_14, %scan3A_37 = %broadcast_in_dim3A_16, %scan3A_38 = %broadcast_in_dim3A_16, %scan3A_39 = %broadcast_in_dim3A_16) -> (vector<8x4096xf32>, vector<8x1xi32>, vector<8x512xi32>, vector<8x512xf32>, vector<8x512xf32>, vector<8x512xf32>)  : i32 {
      %eq3A = vector.broadcast %scan3A_35 : vector<8x1xi32> to vector<8x4096xi32>
      %eq3A_40 = arith.cmpi eq, %iota3A, %eq3A : vector<8x4096xi32>
      %jit3A = arith.constant 0.000000e+00 : f32
      %broadcast_in_dim3A_41 = vector.broadcast %jit3A : f32 to vector<8x4096xf32>
      %select_n3A = arith.select %eq3A_40, %get3A_1, %broadcast_in_dim3A_41 : vector<8x4096xi1>, vector<8x4096xf32>
      %reduce_sum3A = arith.constant dense<0.000000e+00> : vector<8xf32>
      %reduce_sum3A_42 = vector.multi_reduction <add>, %select_n3A, %reduce_sum3A [1] : vector<8x4096xf32> to vector<8xf32>
      %broadcast_in_dim3A_43 = vector.shape_cast %reduce_sum3A_42 : vector<8xf32> to vector<8x1xf32>
      %jit3A_44 = arith.constant 0.000000e+00 : f32
      %broadcast_in_dim3A_45 = vector.broadcast %jit3A_44 : f32 to vector<8x4096xf32>
      %select_n3A_46 = arith.select %eq3A_40, %get3A_4, %broadcast_in_dim3A_45 : vector<8x4096xi1>, vector<8x4096xf32>
      %reduce_sum3A_47 = arith.constant dense<0.000000e+00> : vector<8xf32>
      %reduce_sum3A_48 = vector.multi_reduction <add>, %select_n3A_46, %reduce_sum3A_47 [1] : vector<8x4096xf32> to vector<8xf32>
      %broadcast_in_dim3A_49 = vector.shape_cast %reduce_sum3A_48 : vector<8xf32> to vector<8x1xf32>
      %jit3A_50 = arith.constant 0.000000e+00 : f32
      %broadcast_in_dim3A_51 = vector.broadcast %jit3A_50 : f32 to vector<8x4096xf32>
      %select_n3A_52 = arith.select %eq3A_40, %get3A_7, %broadcast_in_dim3A_51 : vector<8x4096xi1>, vector<8x4096xf32>
      %reduce_sum3A_53 = arith.constant dense<0.000000e+00> : vector<8xf32>
      %reduce_sum3A_54 = vector.multi_reduction <add>, %select_n3A_52, %reduce_sum3A_53 [1] : vector<8x4096xf32> to vector<8xf32>
      %broadcast_in_dim3A_55 = vector.shape_cast %reduce_sum3A_54 : vector<8xf32> to vector<8x1xf32>
      %eq3A_56 = vector.broadcast %scan3A_33 : i32 to vector<8x512xi32>
      %eq3A_57 = arith.cmpi eq, %iota3A_8, %eq3A_56 : vector<8x512xi32>
      %broadcast_in_dim3A_58 = vector.shape_cast %scan3A_35 : vector<8x1xi32> to vector<8x1xi32>
      %broadcast_in_dim3A_59 = vector.broadcast %broadcast_in_dim3A_58 : vector<8x1xi32> to vector<8x512xi32>
      %select_n3A_60 = arith.select %eq3A_57, %broadcast_in_dim3A_59, %scan3A_36 : vector<8x512xi1>, vector<8x512xi32>
      %broadcast_in_dim3A_61 = vector.shape_cast %broadcast_in_dim3A_43 : vector<8x1xf32> to vector<8x1xf32>
      %broadcast_in_dim3A_62 = vector.broadcast %broadcast_in_dim3A_61 : vector<8x1xf32> to vector<8x512xf32>
      %select_n3A_63 = arith.select %eq3A_57, %broadcast_in_dim3A_62, %scan3A_37 : vector<8x512xi1>, vector<8x512xf32>
      %broadcast_in_dim3A_64 = vector.shape_cast %broadcast_in_dim3A_49 : vector<8x1xf32> to vector<8x1xf32>
      %broadcast_in_dim3A_65 = vector.broadcast %broadcast_in_dim3A_64 : vector<8x1xf32> to vector<8x512xf32>
      %select_n3A_66 = arith.select %eq3A_57, %broadcast_in_dim3A_65, %scan3A_38 : vector<8x512xi1>, vector<8x512xf32>
      %broadcast_in_dim3A_67 = vector.shape_cast %broadcast_in_dim3A_55 : vector<8x1xf32> to vector<8x1xf32>
      %broadcast_in_dim3A_68 = vector.broadcast %broadcast_in_dim3A_67 : vector<8x1xf32> to vector<8x512xf32>
      %select_n3A_69 = arith.select %eq3A_57, %broadcast_in_dim3A_68, %scan3A_39 : vector<8x512xi1>, vector<8x512xf32>
      %sub3A = vector.broadcast %broadcast_in_dim3A_43 : vector<8x1xf32> to vector<8x4096xf32>
      %sub3A_70 = arith.subf %get3A_1, %sub3A : vector<8x4096xf32>
      %sub3A_71 = vector.broadcast %broadcast_in_dim3A_49 : vector<8x1xf32> to vector<8x4096xf32>
      %sub3A_72 = arith.subf %get3A_4, %sub3A_71 : vector<8x4096xf32>
      %sub3A_73 = vector.broadcast %broadcast_in_dim3A_55 : vector<8x1xf32> to vector<8x4096xf32>
      %sub3A_74 = arith.subf %get3A_7, %sub3A_73 : vector<8x4096xf32>
      %mul3A = arith.mulf %sub3A_70, %sub3A_70 : vector<8x4096xf32>
      %mul3A_75 = arith.mulf %sub3A_72, %sub3A_72 : vector<8x4096xf32>
      %add3A = arith.addf %mul3A, %mul3A_75 : vector<8x4096xf32>
      %mul3A_76 = arith.mulf %sub3A_74, %sub3A_74 : vector<8x4096xf32>
      %add3A_77 = arith.addf %add3A, %mul3A_76 : vector<8x4096xf32>
      %min3A = arith.minimumf %scan3A_34, %add3A_77 : vector<8x4096xf32>
      %reduce_max3A = arith.constant dense<0xFF800000> : vector<8xf32>
      %reduce_max3A_78 = vector.multi_reduction <maximumf>, %min3A, %reduce_max3A [1] : vector<8x4096xf32> to vector<8xf32>
      %broadcast_in_dim3A_79 = vector.shape_cast %reduce_max3A_78 : vector<8xf32> to vector<8x1xf32>
      %eq3A_80 = vector.broadcast %broadcast_in_dim3A_79 : vector<8x1xf32> to vector<8x4096xf32>
      %eq3A_81 = arith.cmpf oeq, %min3A, %eq3A_80 : vector<8x4096xf32>
      %jit3A_82 = arith.constant 4096 : i32
      %broadcast_in_dim3A_83 = vector.broadcast %jit3A_82 : i32 to vector<8x4096xi32>
      %select_n3A_84 = arith.select %eq3A_81, %iota3A, %broadcast_in_dim3A_83 : vector<8x4096xi1>, vector<8x4096xi32>
      %reduce_min3A = arith.constant dense<2147483647> : vector<8xi32>
      %reduce_min3A_85 = vector.multi_reduction <minsi>, %select_n3A_84, %reduce_min3A [1] : vector<8x4096xi32> to vector<8xi32>
      %broadcast_in_dim3A_86 = vector.shape_cast %reduce_min3A_85 : vector<8xi32> to vector<8x1xi32>
      scf.yield %min3A, %broadcast_in_dim3A_86, %select_n3A_60, %select_n3A_63, %select_n3A_66, %select_n3A_69 : vector<8x4096xf32>, vector<8x1xi32>, vector<8x512xi32>, vector<8x512xf32>, vector<8x512xf32>, vector<8x512xf32>
    }
    %scan3A_21 = arith.constant 512 : i32
    %swap3A = arith.constant 0 : index
    %swap3A_22 = arith.constant 0 : index
    %swap3A_23 = vector.load %arg4[%swap3A, %swap3A_22] : memref<8x512xi32, #tpu.memory_space<vmem>>, vector<8x512xi32>
    tpu.vector_store %arg4[%swap3A, %swap3A_22], %scan3A_20#2 {strides = array<i32>} : memref<8x512xi32, #tpu.memory_space<vmem>>, vector<8x512xi32>,
    %swap3A_24 = arith.constant 0 : index
    %swap3A_25 = arith.constant 0 : index
    %swap3A_26 = vector.load %arg5[%swap3A_24, %swap3A_25] : memref<8x512xf32, #tpu.memory_space<vmem>>, vector<8x512xf32>
    tpu.vector_store %arg5[%swap3A_24, %swap3A_25], %scan3A_20#3 {strides = array<i32>} : memref<8x512xf32, #tpu.memory_space<vmem>>, vector<8x512xf32>,
    %swap3A_27 = arith.constant 0 : index
    %swap3A_28 = arith.constant 0 : index
    %swap3A_29 = vector.load %arg6[%swap3A_27, %swap3A_28] : memref<8x512xf32, #tpu.memory_space<vmem>>, vector<8x512xf32>
    tpu.vector_store %arg6[%swap3A_27, %swap3A_28], %scan3A_20#4 {strides = array<i32>} : memref<8x512xf32, #tpu.memory_space<vmem>>, vector<8x512xf32>,
    %swap3A_30 = arith.constant 0 : index
    %swap3A_31 = arith.constant 0 : index
    %swap3A_32 = vector.load %arg7[%swap3A_30, %swap3A_31] : memref<8x512xf32, #tpu.memory_space<vmem>>, vector<8x512xf32>
    tpu.vector_store %arg7[%swap3A_30, %swap3A_31], %scan3A_20#5 {strides = array<i32>} : memref<8x512xf32, #tpu.memory_space<vmem>>, vector<8x512xf32>,
    return
  }
}

module attributes {stable_mosaic.version = 14 : i64} {
  func.func @_bq_body(%arg0: i32, %arg1: memref<1x1x4096xf32, #tpu.memory_space<vmem>>, %arg2: memref<1x1x4096xf32, #tpu.memory_space<vmem>>, %arg3: memref<1x1x4096xf32, #tpu.memory_space<vmem>>, %arg4: memref<1x8x4096xbf16, #tpu.memory_space<vmem>>, %arg5: memref<1x512x1xf32, #tpu.memory_space<vmem>>, %arg6: memref<1x512x1xf32, #tpu.memory_space<vmem>>, %arg7: memref<1x512x1xf32, #tpu.memory_space<vmem>>, %arg8: memref<1x512x32xi32, #tpu.memory_space<vmem>>, %arg9: memref<512x4096xf32, #tpu.memory_space<vmem>>) attributes {dimension_semantics = [#tpu.dimension_semantics<parallel>], iteration_bounds = array<i64: 8>, scalar_prefetch = 0 : i64, scratch_operands = 1 : i64, tpu.core_type = #tpu.core_type<tc>, window_params = [{transform_indices = @transform_0, window_bounds = array<i64: 1, 1, 4096>}, {transform_indices = @transform_1, window_bounds = array<i64: 1, 1, 4096>}, {transform_indices = @transform_2, window_bounds = array<i64: 1, 1, 4096>}, {transform_indices = @transform_3, window_bounds = array<i64: 1, 8, 4096>}, {transform_indices = @transform_4, window_bounds = array<i64: 1, 512, 1>}, {transform_indices = @transform_5, window_bounds = array<i64: 1, 512, 1>}, {transform_indices = @transform_6, window_bounds = array<i64: 1, 512, 1>}, {transform_indices = @transform_7, window_bounds = array<i64: 1, 512, 32>}]} {
    %get3A = arith.constant 0 : index
    %get3A_0 = arith.constant 0 : index
    %get3A_1 = arith.constant 0 : index
    %get3A_2 = vector.load %arg1[%get3A, %get3A_0, %get3A_1] : memref<1x1x4096xf32, #tpu.memory_space<vmem>>, vector<1x1x4096xf32>
    %get3A_3 = vector.shape_cast %get3A_2 : vector<1x1x4096xf32> to vector<1x4096xf32>
    %get3A_4 = arith.constant 0 : index
    %get3A_5 = arith.constant 0 : index
    %get3A_6 = arith.constant 0 : index
    %get3A_7 = vector.load %arg2[%get3A_4, %get3A_5, %get3A_6] : memref<1x1x4096xf32, #tpu.memory_space<vmem>>, vector<1x1x4096xf32>
    %get3A_8 = vector.shape_cast %get3A_7 : vector<1x1x4096xf32> to vector<1x4096xf32>
    %get3A_9 = arith.constant 0 : index
    %get3A_10 = arith.constant 0 : index
    %get3A_11 = arith.constant 0 : index
    %get3A_12 = vector.load %arg3[%get3A_9, %get3A_10, %get3A_11] : memref<1x1x4096xf32, #tpu.memory_space<vmem>>, vector<1x1x4096xf32>
    %get3A_13 = vector.shape_cast %get3A_12 : vector<1x1x4096xf32> to vector<1x4096xf32>
    %get3A_14 = arith.constant 0 : index
    %get3A_15 = arith.constant 0 : index
    %get3A_16 = arith.constant 0 : index
    %get3A_17 = vector.load %arg4[%get3A_14, %get3A_15, %get3A_16] : memref<1x8x4096xbf16, #tpu.memory_space<vmem>>, vector<1x8x4096xbf16>
    %get3A_18 = vector.shape_cast %get3A_17 : vector<1x8x4096xbf16> to vector<8x4096xbf16>
    %mul3A = arith.mulf %get3A_3, %get3A_3 : vector<1x4096xf32>
    %mul3A_19 = arith.mulf %get3A_8, %get3A_8 : vector<1x4096xf32>
    %add3A = arith.addf %mul3A, %mul3A_19 : vector<1x4096xf32>
    %mul3A_20 = arith.mulf %get3A_13, %get3A_13 : vector<1x4096xf32>
    %add3A_21 = arith.addf %add3A, %mul3A_20 : vector<1x4096xf32>
    %get3A_22 = arith.constant 0 : index
    %get3A_23 = arith.constant 0 : index
    %get3A_24 = arith.constant 0 : index
    %get3A_25 = vector.load %arg5[%get3A_22, %get3A_23, %get3A_24] : memref<1x512x1xf32, #tpu.memory_space<vmem>>, vector<1x512x1xf32>
    %get3A_26 = vector.shape_cast %get3A_25 : vector<1x512x1xf32> to vector<512x1xf32>
    %get3A_27 = arith.constant 0 : index
    %get3A_28 = arith.constant 0 : index
    %get3A_29 = arith.constant 0 : index
    %get3A_30 = vector.load %arg6[%get3A_27, %get3A_28, %get3A_29] : memref<1x512x1xf32, #tpu.memory_space<vmem>>, vector<1x512x1xf32>
    %get3A_31 = vector.shape_cast %get3A_30 : vector<1x512x1xf32> to vector<512x1xf32>
    %get3A_32 = arith.constant 0 : index
    %get3A_33 = arith.constant 0 : index
    %get3A_34 = arith.constant 0 : index
    %get3A_35 = vector.load %arg7[%get3A_32, %get3A_33, %get3A_34] : memref<1x512x1xf32, #tpu.memory_space<vmem>>, vector<1x512x1xf32>
    %get3A_36 = vector.shape_cast %get3A_35 : vector<1x512x1xf32> to vector<512x1xf32>
    %broadcast_in_dim3A = arith.constant 0.000000e+00 : f32
    %broadcast_in_dim3A_37 = vector.broadcast %broadcast_in_dim3A : f32 to vector<512x5xf32>
    %concatenate3A = tpu.concatenate %get3A_26, %get3A_31, %get3A_36, %broadcast_in_dim3A_37 in 1 : vector<512x1xf32>, vector<512x1xf32>, vector<512x1xf32>, vector<512x5xf32> -> vector<512x8xf32>
    %convert_element_type3A = arith.truncf %concatenate3A : vector<512x8xf32> to vector<512x8xbf16>
    %dot_general3A = arith.constant dense<0.000000e+00> : vector<512x4096xf32>
    %dot_general3A_38 = tpu.matmul %convert_element_type3A, %get3A_18, %dot_general3A {dimension_numbers = #tpu.dot_dimension_numbers<[1], [0], [0], [1], [0, 0, 1, 1], [], []>, transpose_lhs_hint = false} : vector<512x8xbf16>, vector<8x4096xbf16>, vector<512x4096xf32> -> vector<512x4096xf32>
    %swap3A = arith.constant 0 : index
    %swap3A_39 = arith.constant 0 : index
    %swap3A_40 = vector.load %arg9[%swap3A, %swap3A_39] : memref<512x4096xf32, #tpu.memory_space<vmem>>, vector<512x4096xf32>
    tpu.vector_store %arg9[%swap3A, %swap3A_39], %dot_general3A_38 {strides = array<i32>} : memref<512x4096xf32, #tpu.memory_space<vmem>>, vector<512x4096xf32>,
    %scan3A = arith.constant 0 : i32
    %scan3A_41 = arith.constant 8 : i32
    %scan3A_42 = arith.addi %scan3A, %scan3A_41 : i32
    %scan3A_43 = arith.constant 1 : i32
    scf.for %scan3A_45 = %scan3A to %scan3A_42 step %scan3A_43  : i32 {
      %mul3A_46 = arith.constant 64 : i32
      %mul3A_47 = arith.muli %scan3A_45, %mul3A_46 : i32
      %multiple_of3A = tpu.assume_multiple %mul3A_47, 64 : i32
      %get3A_48 = arith.constant 0 : index
      %get3A_49 = arith.index_cast %multiple_of3A : i32 to index
      %get3A_50 = arith.constant 0 : index
      %get3A_51 = vector.load %arg5[%get3A_48, %get3A_49, %get3A_50] : memref<1x512x1xf32, #tpu.memory_space<vmem>>, vector<1x64x1xf32>
      %get3A_52 = vector.shape_cast %get3A_51 : vector<1x64x1xf32> to vector<64x1xf32>
      %get3A_53 = arith.constant 0 : index
      %get3A_54 = arith.index_cast %multiple_of3A : i32 to index
      %get3A_55 = arith.constant 0 : index
      %get3A_56 = vector.load %arg6[%get3A_53, %get3A_54, %get3A_55] : memref<1x512x1xf32, #tpu.memory_space<vmem>>, vector<1x64x1xf32>
      %get3A_57 = vector.shape_cast %get3A_56 : vector<1x64x1xf32> to vector<64x1xf32>
      %get3A_58 = arith.constant 0 : index
      %get3A_59 = arith.index_cast %multiple_of3A : i32 to index
      %get3A_60 = arith.constant 0 : index
      %get3A_61 = vector.load %arg7[%get3A_58, %get3A_59, %get3A_60] : memref<1x512x1xf32, #tpu.memory_space<vmem>>, vector<1x64x1xf32>
      %get3A_62 = vector.shape_cast %get3A_61 : vector<1x64x1xf32> to vector<64x1xf32>
      %mul3A_63 = arith.mulf %get3A_52, %get3A_52 : vector<64x1xf32>
      %mul3A_64 = arith.mulf %get3A_57, %get3A_57 : vector<64x1xf32>
      %add3A_65 = arith.addf %mul3A_63, %mul3A_64 : vector<64x1xf32>
      %mul3A_66 = arith.mulf %get3A_62, %get3A_62 : vector<64x1xf32>
      %add3A_67 = arith.addf %add3A_65, %mul3A_66 : vector<64x1xf32>
      %get3A_68 = arith.index_cast %multiple_of3A : i32 to index
      %get3A_69 = arith.constant 0 : index
      %get3A_70 = vector.load %arg9[%get3A_68, %get3A_69] : memref<512x4096xf32, #tpu.memory_space<vmem>>, vector<64x4096xf32>
      %mul3A_71 = arith.constant -2.000000e+00 : f32
      %mul3A_72 = vector.broadcast %mul3A_71 : f32 to vector<64x4096xf32>
      %mul3A_73 = arith.mulf %mul3A_72, %get3A_70 : vector<64x4096xf32>
      %add3A_74 = vector.broadcast %add3A_67 : vector<64x1xf32> to vector<64x4096xf32>
      %add3A_75 = arith.addf %mul3A_73, %add3A_74 : vector<64x4096xf32>
      %add3A_76 = vector.broadcast %add3A_21 : vector<1x4096xf32> to vector<64x4096xf32>
      %add3A_77 = arith.addf %add3A_75, %add3A_76 : vector<64x4096xf32>
      %le3A = arith.constant 4.000000e-02 : f32
      %le3A_78 = vector.broadcast %le3A : f32 to vector<64x4096xf32>
      %le3A_79 = arith.cmpf ole, %add3A_77, %le3A_78 : vector<64x4096xf32>
      %convert_element_type3A_80 = arith.extui %le3A_79 : vector<64x4096xi1> to vector<64x4096xi32>
      %broadcast_in_dim3A_81 = arith.constant 0 : i32
      %broadcast_in_dim3A_82 = vector.broadcast %broadcast_in_dim3A_81 : i32 to vector<64x1xi32>
      %slice3A = vector.extract_strided_slice %convert_element_type3A_80 {offsets = [0, 0], sizes = [64, 4095], strides = [1, 1]} : vector<64x4096xi32> to vector<64x4095xi32>
      %concatenate3A_83 = tpu.concatenate %broadcast_in_dim3A_82, %slice3A in 1 : vector<64x1xi32>, vector<64x4095xi32> -> vector<64x4096xi32>
      %add3A_84 = arith.addi %convert_element_type3A_80, %concatenate3A_83 : vector<64x4096xi32>
      %broadcast_in_dim3A_85 = arith.constant 0 : i32
      %broadcast_in_dim3A_86 = vector.broadcast %broadcast_in_dim3A_85 : i32 to vector<64x2xi32>
      %slice3A_87 = vector.extract_strided_slice %add3A_84 {offsets = [0, 0], sizes = [64, 4094], strides = [1, 1]} : vector<64x4096xi32> to vector<64x4094xi32>
      %concatenate3A_88 = tpu.concatenate %broadcast_in_dim3A_86, %slice3A_87 in 1 : vector<64x2xi32>, vector<64x4094xi32> -> vector<64x4096xi32>
      %add3A_89 = arith.addi %add3A_84, %concatenate3A_88 : vector<64x4096xi32>
      %broadcast_in_dim3A_90 = arith.constant 0 : i32
      %broadcast_in_dim3A_91 = vector.broadcast %broadcast_in_dim3A_90 : i32 to vector<64x4xi32>
      %slice3A_92 = vector.extract_strided_slice %add3A_89 {offsets = [0, 0], sizes = [64, 4092], strides = [1, 1]} : vector<64x4096xi32> to vector<64x4092xi32>
      %concatenate3A_93 = tpu.concatenate %broadcast_in_dim3A_91, %slice3A_92 in 1 : vector<64x4xi32>, vector<64x4092xi32> -> vector<64x4096xi32>
      %add3A_94 = arith.addi %add3A_89, %concatenate3A_93 : vector<64x4096xi32>
      %broadcast_in_dim3A_95 = arith.constant 0 : i32
      %broadcast_in_dim3A_96 = vector.broadcast %broadcast_in_dim3A_95 : i32 to vector<64x8xi32>
      %slice3A_97 = vector.extract_strided_slice %add3A_94 {offsets = [0, 0], sizes = [64, 4088], strides = [1, 1]} : vector<64x4096xi32> to vector<64x4088xi32>
      %concatenate3A_98 = tpu.concatenate %broadcast_in_dim3A_96, %slice3A_97 in 1 : vector<64x8xi32>, vector<64x4088xi32> -> vector<64x4096xi32>
      %add3A_99 = arith.addi %add3A_94, %concatenate3A_98 : vector<64x4096xi32>
      %broadcast_in_dim3A_100 = arith.constant 0 : i32
      %broadcast_in_dim3A_101 = vector.broadcast %broadcast_in_dim3A_100 : i32 to vector<64x16xi32>
      %slice3A_102 = vector.extract_strided_slice %add3A_99 {offsets = [0, 0], sizes = [64, 4080], strides = [1, 1]} : vector<64x4096xi32> to vector<64x4080xi32>
      %concatenate3A_103 = tpu.concatenate %broadcast_in_dim3A_101, %slice3A_102 in 1 : vector<64x16xi32>, vector<64x4080xi32> -> vector<64x4096xi32>
      %add3A_104 = arith.addi %add3A_99, %concatenate3A_103 : vector<64x4096xi32>
      %broadcast_in_dim3A_105 = arith.constant 0 : i32
      %broadcast_in_dim3A_106 = vector.broadcast %broadcast_in_dim3A_105 : i32 to vector<64x32xi32>
      %slice3A_107 = vector.extract_strided_slice %add3A_104 {offsets = [0, 0], sizes = [64, 4064], strides = [1, 1]} : vector<64x4096xi32> to vector<64x4064xi32>
      %concatenate3A_108 = tpu.concatenate %broadcast_in_dim3A_106, %slice3A_107 in 1 : vector<64x32xi32>, vector<64x4064xi32> -> vector<64x4096xi32>
      %add3A_109 = arith.addi %add3A_104, %concatenate3A_108 : vector<64x4096xi32>
      %broadcast_in_dim3A_110 = arith.constant 0 : i32
      %broadcast_in_dim3A_111 = vector.broadcast %broadcast_in_dim3A_110 : i32 to vector<64x64xi32>
      %slice3A_112 = vector.extract_strided_slice %add3A_109 {offsets = [0, 0], sizes = [64, 4032], strides = [1, 1]} : vector<64x4096xi32> to vector<64x4032xi32>
      %concatenate3A_113 = tpu.concatenate %broadcast_in_dim3A_111, %slice3A_112 in 1 : vector<64x64xi32>, vector<64x4032xi32> -> vector<64x4096xi32>
      %add3A_114 = arith.addi %add3A_109, %concatenate3A_113 : vector<64x4096xi32>
      %broadcast_in_dim3A_115 = arith.constant 0 : i32
      %broadcast_in_dim3A_116 = vector.broadcast %broadcast_in_dim3A_115 : i32 to vector<64x128xi32>
      %slice3A_117 = vector.extract_strided_slice %add3A_114 {offsets = [0, 0], sizes = [64, 3968], strides = [1, 1]} : vector<64x4096xi32> to vector<64x3968xi32>
      %concatenate3A_118 = tpu.concatenate %broadcast_in_dim3A_116, %slice3A_117 in 1 : vector<64x128xi32>, vector<64x3968xi32> -> vector<64x4096xi32>
      %add3A_119 = arith.addi %add3A_114, %concatenate3A_118 : vector<64x4096xi32>
      %broadcast_in_dim3A_120 = arith.constant 0 : i32
      %broadcast_in_dim3A_121 = vector.broadcast %broadcast_in_dim3A_120 : i32 to vector<64x256xi32>
      %slice3A_122 = vector.extract_strided_slice %add3A_119 {offsets = [0, 0], sizes = [64, 3840], strides = [1, 1]} : vector<64x4096xi32> to vector<64x3840xi32>
      %concatenate3A_123 = tpu.concatenate %broadcast_in_dim3A_121, %slice3A_122 in 1 : vector<64x256xi32>, vector<64x3840xi32> -> vector<64x4096xi32>
      %add3A_124 = arith.addi %add3A_119, %concatenate3A_123 : vector<64x4096xi32>
      %broadcast_in_dim3A_125 = arith.constant 0 : i32
      %broadcast_in_dim3A_126 = vector.broadcast %broadcast_in_dim3A_125 : i32 to vector<64x512xi32>
      %slice3A_127 = vector.extract_strided_slice %add3A_124 {offsets = [0, 0], sizes = [64, 3584], strides = [1, 1]} : vector<64x4096xi32> to vector<64x3584xi32>
      %concatenate3A_128 = tpu.concatenate %broadcast_in_dim3A_126, %slice3A_127 in 1 : vector<64x512xi32>, vector<64x3584xi32> -> vector<64x4096xi32>
      %add3A_129 = arith.addi %add3A_124, %concatenate3A_128 : vector<64x4096xi32>
      %broadcast_in_dim3A_130 = arith.constant 0 : i32
      %broadcast_in_dim3A_131 = vector.broadcast %broadcast_in_dim3A_130 : i32 to vector<64x1024xi32>
      %slice3A_132 = vector.extract_strided_slice %add3A_129 {offsets = [0, 0], sizes = [64, 3072], strides = [1, 1]} : vector<64x4096xi32> to vector<64x3072xi32>
      %concatenate3A_133 = tpu.concatenate %broadcast_in_dim3A_131, %slice3A_132 in 1 : vector<64x1024xi32>, vector<64x3072xi32> -> vector<64x4096xi32>
      %add3A_134 = arith.addi %add3A_129, %concatenate3A_133 : vector<64x4096xi32>
      %broadcast_in_dim3A_135 = arith.constant 0 : i32
      %broadcast_in_dim3A_136 = vector.broadcast %broadcast_in_dim3A_135 : i32 to vector<64x2048xi32>
      %slice3A_137 = vector.extract_strided_slice %add3A_134 {offsets = [0, 0], sizes = [64, 2048], strides = [1, 1]} : vector<64x4096xi32> to vector<64x2048xi32>
      %concatenate3A_138 = tpu.concatenate %broadcast_in_dim3A_136, %slice3A_137 in 1 : vector<64x2048xi32>, vector<64x2048xi32> -> vector<64x4096xi32>
      %add3A_139 = arith.addi %add3A_134, %concatenate3A_138 : vector<64x4096xi32>
      %le3A_140 = arith.constant 0 : i32
      %le3A_141 = vector.broadcast %le3A_140 : i32 to vector<64x4096xi32>
      %le3A_142 = arith.cmpi sle, %add3A_139, %le3A_141 : vector<64x4096xi32>
      %convert_element_type3A_143 = arith.extui %le3A_142 : vector<64x4096xi1> to vector<64x4096xi32>
      %reduce_sum3A = arith.constant dense<0> : vector<64xi32>
      %reduce_sum3A_144 = vector.multi_reduction <add>, %convert_element_type3A_143, %reduce_sum3A [1] : vector<64x4096xi32> to vector<64xi32>
      %le3A_145 = arith.constant 1 : i32
      %le3A_146 = vector.broadcast %le3A_145 : i32 to vector<64x4096xi32>
      %le3A_147 = arith.cmpi sle, %add3A_139, %le3A_146 : vector<64x4096xi32>
      %convert_element_type3A_148 = arith.extui %le3A_147 : vector<64x4096xi1> to vector<64x4096xi32>
      %reduce_sum3A_149 = arith.constant dense<0> : vector<64xi32>
      %reduce_sum3A_150 = vector.multi_reduction <add>, %convert_element_type3A_148, %reduce_sum3A_149 [1] : vector<64x4096xi32> to vector<64xi32>
      %le3A_151 = arith.constant 2 : i32
      %le3A_152 = vector.broadcast %le3A_151 : i32 to vector<64x4096xi32>
      %le3A_153 = arith.cmpi sle, %add3A_139, %le3A_152 : vector<64x4096xi32>
      %convert_element_type3A_154 = arith.extui %le3A_153 : vector<64x4096xi1> to vector<64x4096xi32>
      %reduce_sum3A_155 = arith.constant dense<0> : vector<64xi32>
      %reduce_sum3A_156 = vector.multi_reduction <add>, %convert_element_type3A_154, %reduce_sum3A_155 [1] : vector<64x4096xi32> to vector<64xi32>
      %le3A_157 = arith.constant 3 : i32
      %le3A_158 = vector.broadcast %le3A_157 : i32 to vector<64x4096xi32>
      %le3A_159 = arith.cmpi sle, %add3A_139, %le3A_158 : vector<64x4096xi32>
      %convert_element_type3A_160 = arith.extui %le3A_159 : vector<64x4096xi1> to vector<64x4096xi32>
      %reduce_sum3A_161 = arith.constant dense<0> : vector<64xi32>
      %reduce_sum3A_162 = vector.multi_reduction <add>, %convert_element_type3A_160, %reduce_sum3A_161 [1] : vector<64x4096xi32> to vector<64xi32>
      %le3A_163 = arith.constant 4 : i32
      %le3A_164 = vector.broadcast %le3A_163 : i32 to vector<64x4096xi32>
      %le3A_165 = arith.cmpi sle, %add3A_139, %le3A_164 : vector<64x4096xi32>
      %convert_element_type3A_166 = arith.extui %le3A_165 : vector<64x4096xi1> to vector<64x4096xi32>
      %reduce_sum3A_167 = arith.constant dense<0> : vector<64xi32>
      %reduce_sum3A_168 = vector.multi_reduction <add>, %convert_element_type3A_166, %reduce_sum3A_167 [1] : vector<64x4096xi32> to vector<64xi32>
      %le3A_169 = arith.constant 5 : i32
      %le3A_170 = vector.broadcast %le3A_169 : i32 to vector<64x4096xi32>
      %le3A_171 = arith.cmpi sle, %add3A_139, %le3A_170 : vector<64x4096xi32>
      %convert_element_type3A_172 = arith.extui %le3A_171 : vector<64x4096xi1> to vector<64x4096xi32>
      %reduce_sum3A_173 = arith.constant dense<0> : vector<64xi32>
      %reduce_sum3A_174 = vector.multi_reduction <add>, %convert_element_type3A_172, %reduce_sum3A_173 [1] : vector<64x4096xi32> to vector<64xi32>
      %le3A_175 = arith.constant 6 : i32
      %le3A_176 = vector.broadcast %le3A_175 : i32 to vector<64x4096xi32>
      %le3A_177 = arith.cmpi sle, %add3A_139, %le3A_176 : vector<64x4096xi32>
      %convert_element_type3A_178 = arith.extui %le3A_177 : vector<64x4096xi1> to vector<64x4096xi32>
      %reduce_sum3A_179 = arith.constant dense<0> : vector<64xi32>
      %reduce_sum3A_180 = vector.multi_reduction <add>, %convert_element_type3A_178, %reduce_sum3A_179 [1] : vector<64x4096xi32> to vector<64xi32>
      %le3A_181 = arith.constant 7 : i32
      %le3A_182 = vector.broadcast %le3A_181 : i32 to vector<64x4096xi32>
      %le3A_183 = arith.cmpi sle, %add3A_139, %le3A_182 : vector<64x4096xi32>
      %convert_element_type3A_184 = arith.extui %le3A_183 : vector<64x4096xi1> to vector<64x4096xi32>
      %reduce_sum3A_185 = arith.constant dense<0> : vector<64xi32>
      %reduce_sum3A_186 = vector.multi_reduction <add>, %convert_element_type3A_184, %reduce_sum3A_185 [1] : vector<64x4096xi32> to vector<64xi32>
      %le3A_187 = arith.constant 8 : i32
      %le3A_188 = vector.broadcast %le3A_187 : i32 to vector<64x4096xi32>
      %le3A_189 = arith.cmpi sle, %add3A_139, %le3A_188 : vector<64x4096xi32>
      %convert_element_type3A_190 = arith.extui %le3A_189 : vector<64x4096xi1> to vector<64x4096xi32>
      %reduce_sum3A_191 = arith.constant dense<0> : vector<64xi32>
      %reduce_sum3A_192 = vector.multi_reduction <add>, %convert_element_type3A_190, %reduce_sum3A_191 [1] : vector<64x4096xi32> to vector<64xi32>
      %le3A_193 = arith.constant 9 : i32
      %le3A_194 = vector.broadcast %le3A_193 : i32 to vector<64x4096xi32>
      %le3A_195 = arith.cmpi sle, %add3A_139, %le3A_194 : vector<64x4096xi32>
      %convert_element_type3A_196 = arith.extui %le3A_195 : vector<64x4096xi1> to vector<64x4096xi32>
      %reduce_sum3A_197 = arith.constant dense<0> : vector<64xi32>
      %reduce_sum3A_198 = vector.multi_reduction <add>, %convert_element_type3A_196, %reduce_sum3A_197 [1] : vector<64x4096xi32> to vector<64xi32>
      %le3A_199 = arith.constant 10 : i32
      %le3A_200 = vector.broadcast %le3A_199 : i32 to vector<64x4096xi32>
      %le3A_201 = arith.cmpi sle, %add3A_139, %le3A_200 : vector<64x4096xi32>
      %convert_element_type3A_202 = arith.extui %le3A_201 : vector<64x4096xi1> to vector<64x4096xi32>
      %reduce_sum3A_203 = arith.constant dense<0> : vector<64xi32>
      %reduce_sum3A_204 = vector.multi_reduction <add>, %convert_element_type3A_202, %reduce_sum3A_203 [1] : vector<64x4096xi32> to vector<64xi32>
      %le3A_205 = arith.constant 11 : i32
      %le3A_206 = vector.broadcast %le3A_205 : i32 to vector<64x4096xi32>
      %le3A_207 = arith.cmpi sle, %add3A_139, %le3A_206 : vector<64x4096xi32>
      %convert_element_type3A_208 = arith.extui %le3A_207 : vector<64x4096xi1> to vector<64x4096xi32>
      %reduce_sum3A_209 = arith.constant dense<0> : vector<64xi32>
      %reduce_sum3A_210 = vector.multi_reduction <add>, %convert_element_type3A_208, %reduce_sum3A_209 [1] : vector<64x4096xi32> to vector<64xi32>
      %le3A_211 = arith.constant 12 : i32
      %le3A_212 = vector.broadcast %le3A_211 : i32 to vector<64x4096xi32>
      %le3A_213 = arith.cmpi sle, %add3A_139, %le3A_212 : vector<64x4096xi32>
      %convert_element_type3A_214 = arith.extui %le3A_213 : vector<64x4096xi1> to vector<64x4096xi32>
      %reduce_sum3A_215 = arith.constant dense<0> : vector<64xi32>
      %reduce_sum3A_216 = vector.multi_reduction <add>, %convert_element_type3A_214, %reduce_sum3A_215 [1] : vector<64x4096xi32> to vector<64xi32>
      %le3A_217 = arith.constant 13 : i32
      %le3A_218 = vector.broadcast %le3A_217 : i32 to vector<64x4096xi32>
      %le3A_219 = arith.cmpi sle, %add3A_139, %le3A_218 : vector<64x4096xi32>
      %convert_element_type3A_220 = arith.extui %le3A_219 : vector<64x4096xi1> to vector<64x4096xi32>
      %reduce_sum3A_221 = arith.constant dense<0> : vector<64xi32>
      %reduce_sum3A_222 = vector.multi_reduction <add>, %convert_element_type3A_220, %reduce_sum3A_221 [1] : vector<64x4096xi32> to vector<64xi32>
      %le3A_223 = arith.constant 14 : i32
      %le3A_224 = vector.broadcast %le3A_223 : i32 to vector<64x4096xi32>
      %le3A_225 = arith.cmpi sle, %add3A_139, %le3A_224 : vector<64x4096xi32>
      %convert_element_type3A_226 = arith.extui %le3A_225 : vector<64x4096xi1> to vector<64x4096xi32>
      %reduce_sum3A_227 = arith.constant dense<0> : vector<64xi32>
      %reduce_sum3A_228 = vector.multi_reduction <add>, %convert_element_type3A_226, %reduce_sum3A_227 [1] : vector<64x4096xi32> to vector<64xi32>
      %le3A_229 = arith.constant 15 : i32
      %le3A_230 = vector.broadcast %le3A_229 : i32 to vector<64x4096xi32>
      %le3A_231 = arith.cmpi sle, %add3A_139, %le3A_230 : vector<64x4096xi32>
      %convert_element_type3A_232 = arith.extui %le3A_231 : vector<64x4096xi1> to vector<64x4096xi32>
      %reduce_sum3A_233 = arith.constant dense<0> : vector<64xi32>
      %reduce_sum3A_234 = vector.multi_reduction <add>, %convert_element_type3A_232, %reduce_sum3A_233 [1] : vector<64x4096xi32> to vector<64xi32>
      %le3A_235 = arith.constant 16 : i32
      %le3A_236 = vector.broadcast %le3A_235 : i32 to vector<64x4096xi32>
      %le3A_237 = arith.cmpi sle, %add3A_139, %le3A_236 : vector<64x4096xi32>
      %convert_element_type3A_238 = arith.extui %le3A_237 : vector<64x4096xi1> to vector<64x4096xi32>
      %reduce_sum3A_239 = arith.constant dense<0> : vector<64xi32>
      %reduce_sum3A_240 = vector.multi_reduction <add>, %convert_element_type3A_238, %reduce_sum3A_239 [1] : vector<64x4096xi32> to vector<64xi32>
      %le3A_241 = arith.constant 17 : i32
      %le3A_242 = vector.broadcast %le3A_241 : i32 to vector<64x4096xi32>
      %le3A_243 = arith.cmpi sle, %add3A_139, %le3A_242 : vector<64x4096xi32>
      %convert_element_type3A_244 = arith.extui %le3A_243 : vector<64x4096xi1> to vector<64x4096xi32>
      %reduce_sum3A_245 = arith.constant dense<0> : vector<64xi32>
      %reduce_sum3A_246 = vector.multi_reduction <add>, %convert_element_type3A_244, %reduce_sum3A_245 [1] : vector<64x4096xi32> to vector<64xi32>
      %le3A_247 = arith.constant 18 : i32
      %le3A_248 = vector.broadcast %le3A_247 : i32 to vector<64x4096xi32>
      %le3A_249 = arith.cmpi sle, %add3A_139, %le3A_248 : vector<64x4096xi32>
      %convert_element_type3A_250 = arith.extui %le3A_249 : vector<64x4096xi1> to vector<64x4096xi32>
      %reduce_sum3A_251 = arith.constant dense<0> : vector<64xi32>
      %reduce_sum3A_252 = vector.multi_reduction <add>, %convert_element_type3A_250, %reduce_sum3A_251 [1] : vector<64x4096xi32> to vector<64xi32>
      %le3A_253 = arith.constant 19 : i32
      %le3A_254 = vector.broadcast %le3A_253 : i32 to vector<64x4096xi32>
      %le3A_255 = arith.cmpi sle, %add3A_139, %le3A_254 : vector<64x4096xi32>
      %convert_element_type3A_256 = arith.extui %le3A_255 : vector<64x4096xi1> to vector<64x4096xi32>
      %reduce_sum3A_257 = arith.constant dense<0> : vector<64xi32>
      %reduce_sum3A_258 = vector.multi_reduction <add>, %convert_element_type3A_256, %reduce_sum3A_257 [1] : vector<64x4096xi32> to vector<64xi32>
      %le3A_259 = arith.constant 20 : i32
      %le3A_260 = vector.broadcast %le3A_259 : i32 to vector<64x4096xi32>
      %le3A_261 = arith.cmpi sle, %add3A_139, %le3A_260 : vector<64x4096xi32>
      %convert_element_type3A_262 = arith.extui %le3A_261 : vector<64x4096xi1> to vector<64x4096xi32>
      %reduce_sum3A_263 = arith.constant dense<0> : vector<64xi32>
      %reduce_sum3A_264 = vector.multi_reduction <add>, %convert_element_type3A_262, %reduce_sum3A_263 [1] : vector<64x4096xi32> to vector<64xi32>
      %le3A_265 = arith.constant 21 : i32
      %le3A_266 = vector.broadcast %le3A_265 : i32 to vector<64x4096xi32>
      %le3A_267 = arith.cmpi sle, %add3A_139, %le3A_266 : vector<64x4096xi32>
      %convert_element_type3A_268 = arith.extui %le3A_267 : vector<64x4096xi1> to vector<64x4096xi32>
      %reduce_sum3A_269 = arith.constant dense<0> : vector<64xi32>
      %reduce_sum3A_270 = vector.multi_reduction <add>, %convert_element_type3A_268, %reduce_sum3A_269 [1] : vector<64x4096xi32> to vector<64xi32>
      %le3A_271 = arith.constant 22 : i32
      %le3A_272 = vector.broadcast %le3A_271 : i32 to vector<64x4096xi32>
      %le3A_273 = arith.cmpi sle, %add3A_139, %le3A_272 : vector<64x4096xi32>
      %convert_element_type3A_274 = arith.extui %le3A_273 : vector<64x4096xi1> to vector<64x4096xi32>
      %reduce_sum3A_275 = arith.constant dense<0> : vector<64xi32>
      %reduce_sum3A_276 = vector.multi_reduction <add>, %convert_element_type3A_274, %reduce_sum3A_275 [1] : vector<64x4096xi32> to vector<64xi32>
      %le3A_277 = arith.constant 23 : i32
      %le3A_278 = vector.broadcast %le3A_277 : i32 to vector<64x4096xi32>
      %le3A_279 = arith.cmpi sle, %add3A_139, %le3A_278 : vector<64x4096xi32>
      %convert_element_type3A_280 = arith.extui %le3A_279 : vector<64x4096xi1> to vector<64x4096xi32>
      %reduce_sum3A_281 = arith.constant dense<0> : vector<64xi32>
      %reduce_sum3A_282 = vector.multi_reduction <add>, %convert_element_type3A_280, %reduce_sum3A_281 [1] : vector<64x4096xi32> to vector<64xi32>
      %le3A_283 = arith.constant 24 : i32
      %le3A_284 = vector.broadcast %le3A_283 : i32 to vector<64x4096xi32>
      %le3A_285 = arith.cmpi sle, %add3A_139, %le3A_284 : vector<64x4096xi32>
      %convert_element_type3A_286 = arith.extui %le3A_285 : vector<64x4096xi1> to vector<64x4096xi32>
      %reduce_sum3A_287 = arith.constant dense<0> : vector<64xi32>
      %reduce_sum3A_288 = vector.multi_reduction <add>, %convert_element_type3A_286, %reduce_sum3A_287 [1] : vector<64x4096xi32> to vector<64xi32>
      %le3A_289 = arith.constant 25 : i32
      %le3A_290 = vector.broadcast %le3A_289 : i32 to vector<64x4096xi32>
      %le3A_291 = arith.cmpi sle, %add3A_139, %le3A_290 : vector<64x4096xi32>
      %convert_element_type3A_292 = arith.extui %le3A_291 : vector<64x4096xi1> to vector<64x4096xi32>
      %reduce_sum3A_293 = arith.constant dense<0> : vector<64xi32>
      %reduce_sum3A_294 = vector.multi_reduction <add>, %convert_element_type3A_292, %reduce_sum3A_293 [1] : vector<64x4096xi32> to vector<64xi32>
      %le3A_295 = arith.constant 26 : i32
      %le3A_296 = vector.broadcast %le3A_295 : i32 to vector<64x4096xi32>
      %le3A_297 = arith.cmpi sle, %add3A_139, %le3A_296 : vector<64x4096xi32>
      %convert_element_type3A_298 = arith.extui %le3A_297 : vector<64x4096xi1> to vector<64x4096xi32>
      %reduce_sum3A_299 = arith.constant dense<0> : vector<64xi32>
      %reduce_sum3A_300 = vector.multi_reduction <add>, %convert_element_type3A_298, %reduce_sum3A_299 [1] : vector<64x4096xi32> to vector<64xi32>
      %le3A_301 = arith.constant 27 : i32
      %le3A_302 = vector.broadcast %le3A_301 : i32 to vector<64x4096xi32>
      %le3A_303 = arith.cmpi sle, %add3A_139, %le3A_302 : vector<64x4096xi32>
      %convert_element_type3A_304 = arith.extui %le3A_303 : vector<64x4096xi1> to vector<64x4096xi32>
      %reduce_sum3A_305 = arith.constant dense<0> : vector<64xi32>
      %reduce_sum3A_306 = vector.multi_reduction <add>, %convert_element_type3A_304, %reduce_sum3A_305 [1] : vector<64x4096xi32> to vector<64xi32>
      %le3A_307 = arith.constant 28 : i32
      %le3A_308 = vector.broadcast %le3A_307 : i32 to vector<64x4096xi32>
      %le3A_309 = arith.cmpi sle, %add3A_139, %le3A_308 : vector<64x4096xi32>
      %convert_element_type3A_310 = arith.extui %le3A_309 : vector<64x4096xi1> to vector<64x4096xi32>
      %reduce_sum3A_311 = arith.constant dense<0> : vector<64xi32>
      %reduce_sum3A_312 = vector.multi_reduction <add>, %convert_element_type3A_310, %reduce_sum3A_311 [1] : vector<64x4096xi32> to vector<64xi32>
      %le3A_313 = arith.constant 29 : i32
      %le3A_314 = vector.broadcast %le3A_313 : i32 to vector<64x4096xi32>
      %le3A_315 = arith.cmpi sle, %add3A_139, %le3A_314 : vector<64x4096xi32>
      %convert_element_type3A_316 = arith.extui %le3A_315 : vector<64x4096xi1> to vector<64x4096xi32>
      %reduce_sum3A_317 = arith.constant dense<0> : vector<64xi32>
      %reduce_sum3A_318 = vector.multi_reduction <add>, %convert_element_type3A_316, %reduce_sum3A_317 [1] : vector<64x4096xi32> to vector<64xi32>
      %le3A_319 = arith.constant 30 : i32
      %le3A_320 = vector.broadcast %le3A_319 : i32 to vector<64x4096xi32>
      %le3A_321 = arith.cmpi sle, %add3A_139, %le3A_320 : vector<64x4096xi32>
      %convert_element_type3A_322 = arith.extui %le3A_321 : vector<64x4096xi1> to vector<64x4096xi32>
      %reduce_sum3A_323 = arith.constant dense<0> : vector<64xi32>
      %reduce_sum3A_324 = vector.multi_reduction <add>, %convert_element_type3A_322, %reduce_sum3A_323 [1] : vector<64x4096xi32> to vector<64xi32>
      %le3A_325 = arith.constant 31 : i32
      %le3A_326 = vector.broadcast %le3A_325 : i32 to vector<64x4096xi32>
      %le3A_327 = arith.cmpi sle, %add3A_139, %le3A_326 : vector<64x4096xi32>
      %convert_element_type3A_328 = arith.extui %le3A_327 : vector<64x4096xi1> to vector<64x4096xi32>
      %reduce_sum3A_329 = arith.constant dense<0> : vector<64xi32>
      %reduce_sum3A_330 = vector.multi_reduction <add>, %convert_element_type3A_328, %reduce_sum3A_329 [1] : vector<64x4096xi32> to vector<64xi32>
      %stack3A = vector.shape_cast %reduce_sum3A_144 : vector<64xi32> to vector<64x1xi32>
      %stack3A_331 = vector.shape_cast %reduce_sum3A_150 : vector<64xi32> to vector<64x1xi32>
      %stack3A_332 = vector.shape_cast %reduce_sum3A_156 : vector<64xi32> to vector<64x1xi32>
      %stack3A_333 = vector.shape_cast %reduce_sum3A_162 : vector<64xi32> to vector<64x1xi32>
      %stack3A_334 = vector.shape_cast %reduce_sum3A_168 : vector<64xi32> to vector<64x1xi32>
      %stack3A_335 = vector.shape_cast %reduce_sum3A_174 : vector<64xi32> to vector<64x1xi32>
      %stack3A_336 = vector.shape_cast %reduce_sum3A_180 : vector<64xi32> to vector<64x1xi32>
      %stack3A_337 = vector.shape_cast %reduce_sum3A_186 : vector<64xi32> to vector<64x1xi32>
      %stack3A_338 = vector.shape_cast %reduce_sum3A_192 : vector<64xi32> to vector<64x1xi32>
      %stack3A_339 = vector.shape_cast %reduce_sum3A_198 : vector<64xi32> to vector<64x1xi32>
      %stack3A_340 = vector.shape_cast %reduce_sum3A_204 : vector<64xi32> to vector<64x1xi32>
      %stack3A_341 = vector.shape_cast %reduce_sum3A_210 : vector<64xi32> to vector<64x1xi32>
      %stack3A_342 = vector.shape_cast %reduce_sum3A_216 : vector<64xi32> to vector<64x1xi32>
      %stack3A_343 = vector.shape_cast %reduce_sum3A_222 : vector<64xi32> to vector<64x1xi32>
      %stack3A_344 = vector.shape_cast %reduce_sum3A_228 : vector<64xi32> to vector<64x1xi32>
      %stack3A_345 = vector.shape_cast %reduce_sum3A_234 : vector<64xi32> to vector<64x1xi32>
      %stack3A_346 = vector.shape_cast %reduce_sum3A_240 : vector<64xi32> to vector<64x1xi32>
      %stack3A_347 = vector.shape_cast %reduce_sum3A_246 : vector<64xi32> to vector<64x1xi32>
      %stack3A_348 = vector.shape_cast %reduce_sum3A_252 : vector<64xi32> to vector<64x1xi32>
      %stack3A_349 = vector.shape_cast %reduce_sum3A_258 : vector<64xi32> to vector<64x1xi32>
      %stack3A_350 = vector.shape_cast %reduce_sum3A_264 : vector<64xi32> to vector<64x1xi32>
      %stack3A_351 = vector.shape_cast %reduce_sum3A_270 : vector<64xi32> to vector<64x1xi32>
      %stack3A_352 = vector.shape_cast %reduce_sum3A_276 : vector<64xi32> to vector<64x1xi32>
      %stack3A_353 = vector.shape_cast %reduce_sum3A_282 : vector<64xi32> to vector<64x1xi32>
      %stack3A_354 = vector.shape_cast %reduce_sum3A_288 : vector<64xi32> to vector<64x1xi32>
      %stack3A_355 = vector.shape_cast %reduce_sum3A_294 : vector<64xi32> to vector<64x1xi32>
      %stack3A_356 = vector.shape_cast %reduce_sum3A_300 : vector<64xi32> to vector<64x1xi32>
      %stack3A_357 = vector.shape_cast %reduce_sum3A_306 : vector<64xi32> to vector<64x1xi32>
      %stack3A_358 = vector.shape_cast %reduce_sum3A_312 : vector<64xi32> to vector<64x1xi32>
      %stack3A_359 = vector.shape_cast %reduce_sum3A_318 : vector<64xi32> to vector<64x1xi32>
      %stack3A_360 = vector.shape_cast %reduce_sum3A_324 : vector<64xi32> to vector<64x1xi32>
      %stack3A_361 = vector.shape_cast %reduce_sum3A_330 : vector<64xi32> to vector<64x1xi32>
      %stack3A_362 = tpu.concatenate %stack3A, %stack3A_331, %stack3A_332, %stack3A_333, %stack3A_334, %stack3A_335, %stack3A_336, %stack3A_337, %stack3A_338, %stack3A_339, %stack3A_340, %stack3A_341, %stack3A_342, %stack3A_343, %stack3A_344, %stack3A_345, %stack3A_346, %stack3A_347, %stack3A_348, %stack3A_349, %stack3A_350, %stack3A_351, %stack3A_352, %stack3A_353, %stack3A_354, %stack3A_355, %stack3A_356, %stack3A_357, %stack3A_358, %stack3A_359, %stack3A_360, %stack3A_361 in 1 : vector<64x1xi32>, vector<64x1xi32>, vector<64x1xi32>, vector<64x1xi32>, vector<64x1xi32>, vector<64x1xi32>, vector<64x1xi32>, vector<64x1xi32>, vector<64x1xi32>, vector<64x1xi32>, vector<64x1xi32>, vector<64x1xi32>, vector<64x1xi32>, vector<64x1xi32>, vector<64x1xi32>, vector<64x1xi32>, vector<64x1xi32>, vector<64x1xi32>, vector<64x1xi32>, vector<64x1xi32>, vector<64x1xi32>, vector<64x1xi32>, vector<64x1xi32>, vector<64x1xi32>, vector<64x1xi32>, vector<64x1xi32>, vector<64x1xi32>, vector<64x1xi32>, vector<64x1xi32>, vector<64x1xi32>, vector<64x1xi32>, vector<64x1xi32> -> vector<64x32xi32>
      %slice3A_363 = vector.extract_strided_slice %stack3A_362 {offsets = [0, 0], sizes = [64, 1], strides = [1, 1]} : vector<64x32xi32> to vector<64x1xi32>
      %eq3A = arith.constant 4096 : i32
      %eq3A_364 = vector.broadcast %eq3A : i32 to vector<64x32xi32>
      %eq3A_365 = arith.cmpi eq, %stack3A_362, %eq3A_364 : vector<64x32xi32>
      %broadcast_in_dim3A_366 = vector.shape_cast %slice3A_363 : vector<64x1xi32> to vector<64x1xi32>
      %broadcast_in_dim3A_367 = vector.broadcast %broadcast_in_dim3A_366 : vector<64x1xi32> to vector<64x32xi32>
      %select_n3A = arith.select %eq3A_365, %broadcast_in_dim3A_367, %stack3A_362 : vector<64x32xi1>, vector<64x32xi32>
      %mul3A_368 = arith.constant 4096 : i32
      %mul3A_369 = arith.muli %arg0, %mul3A_368 : i32
      %add3A_370 = vector.broadcast %mul3A_369 : i32 to vector<64x32xi32>
      %add3A_371 = arith.addi %select_n3A, %add3A_370 : vector<64x32xi32>
      %swap3A_372 = arith.constant 0 : index
      %swap3A_373 = arith.index_cast %multiple_of3A : i32 to index
      %swap3A_374 = arith.constant 0 : index
      %swap3A_375 = vector.load %arg8[%swap3A_372, %swap3A_373, %swap3A_374] : memref<1x512x32xi32, #tpu.memory_space<vmem>>, vector<1x64x32xi32>
      %swap3A_376 = vector.shape_cast %swap3A_375 : vector<1x64x32xi32> to vector<64x32xi32>
      %swap3A_377 = vector.shape_cast %add3A_371 : vector<64x32xi32> to vector<1x64x32xi32>
      tpu.vector_store %arg8[%swap3A_372, %swap3A_373, %swap3A_374], %swap3A_377 {strides = array<i32>} : memref<1x512x32xi32, #tpu.memory_space<vmem>>, vector<1x64x32xi32>,
    }
    %scan3A_44 = arith.constant 8 : i32
    return
  }
  func.func @transform_0(%arg0: i32) -> (i32, i32, i32) {
    %c0_i32 = arith.constant 0 : i32
    %c0_i32_0 = arith.constant 0 : i32
    %c0_i32_1 = arith.constant 0 : i32
    return %arg0, %c0_i32, %c0_i32_0 : i32, i32, i32
  }
  func.func @transform_1(%arg0: i32) -> (i32, i32, i32) {
    %c0_i32 = arith.constant 0 : i32
    %c0_i32_0 = arith.constant 0 : i32
    %c0_i32_1 = arith.constant 0 : i32
    return %arg0, %c0_i32, %c0_i32_0 : i32, i32, i32
  }
  func.func @transform_2(%arg0: i32) -> (i32, i32, i32) {
    %c0_i32 = arith.constant 0 : i32
    %c0_i32_0 = arith.constant 0 : i32
    %c0_i32_1 = arith.constant 0 : i32
    return %arg0, %c0_i32, %c0_i32_0 : i32, i32, i32
  }
  func.func @transform_3(%arg0: i32) -> (i32, i32, i32) {
    %c0_i32 = arith.constant 0 : i32
    %c0_i32_0 = arith.constant 0 : i32
    %c0_i32_1 = arith.constant 0 : i32
    return %arg0, %c0_i32, %c0_i32_0 : i32, i32, i32
  }
  func.func @transform_4(%arg0: i32) -> (i32, i32, i32) {
    %c0_i32 = arith.constant 0 : i32
    %c0_i32_0 = arith.constant 0 : i32
    %c0_i32_1 = arith.constant 0 : i32
    return %arg0, %c0_i32, %c0_i32_0 : i32, i32, i32
  }
  func.func @transform_5(%arg0: i32) -> (i32, i32, i32) {
    %c0_i32 = arith.constant 0 : i32
    %c0_i32_0 = arith.constant 0 : i32
    %c0_i32_1 = arith.constant 0 : i32
    return %arg0, %c0_i32, %c0_i32_0 : i32, i32, i32
  }
  func.func @transform_6(%arg0: i32) -> (i32, i32, i32) {
    %c0_i32 = arith.constant 0 : i32
    %c0_i32_0 = arith.constant 0 : i32
    %c0_i32_1 = arith.constant 0 : i32
    return %arg0, %c0_i32, %c0_i32_0 : i32, i32, i32
  }
  func.func @transform_7(%arg0: i32) -> (i32, i32, i32) {
    %c0_i32 = arith.constant 0 : i32
    %c0_i32_0 = arith.constant 0 : i32
    %c0_i32_1 = arith.constant 0 : i32
    return %arg0, %c0_i32, %c0_i32_0 : i32, i32, i32
  }
}

module attributes {stable_mosaic.version = 14 : i64} {
  func.func @_px_body(%arg0: i32, %arg1: memref<1024x128xf32, #tpu.memory_space<vmem>>, %arg2: memref<1024x8xf32, #tpu.memory_space<vmem>>, %arg3: memref<128x256xf32, #tpu.memory_space<vmem>>, %arg4: memref<8x256xf32, #tpu.memory_space<vmem>>, %arg5: memref<1x256xf32, #tpu.memory_space<vmem>>, %arg6: memref<1024x128xi32, #tpu.memory_space<vmem>>) attributes {dimension_semantics = [#tpu.dimension_semantics<parallel>], iteration_bounds = array<i64: 32>, scalar_prefetch = 0 : i64, scratch_operands = 0 : i64, tpu.core_type = #tpu.core_type<tc>, window_params = [{transform_indices = @transform_0, window_bounds = array<i64: 1024, 128>}, {transform_indices = @transform_1, window_bounds = array<i64: 1024, 8>}, {pipeline_mode = #tpu.pipeline_mode<synchronous>, transform_indices = @transform_2, window_bounds = array<i64: 128, 256>}, {pipeline_mode = #tpu.pipeline_mode<synchronous>, transform_indices = @transform_3, window_bounds = array<i64: 8, 256>}, {pipeline_mode = #tpu.pipeline_mode<synchronous>, transform_indices = @transform_4, window_bounds = array<i64: 1, 256>}, {transform_indices = @transform_5, window_bounds = array<i64: 1024, 128>}]} {
    %get3A = arith.constant 0 : index
    %get3A_0 = arith.constant 0 : index
    %get3A_1 = vector.load %arg1[%get3A, %get3A_0] : memref<1024x128xf32, #tpu.memory_space<vmem>>, vector<1024x128xf32>
    %get3A_2 = arith.constant 0 : index
    %get3A_3 = arith.constant 0 : index
    %get3A_4 = vector.load %arg3[%get3A_2, %get3A_3] : memref<128x256xf32, #tpu.memory_space<vmem>>, vector<128x256xf32>
    %dot_general3A = arith.constant dense<0.000000e+00> : vector<1024x256xf32>
    %dot_general3A_5 = tpu.matmul %get3A_1, %get3A_4, %dot_general3A {dimension_numbers = #tpu.dot_dimension_numbers<[1], [0], [0], [1], [0, 0, 1, 1], [], []>, transpose_lhs_hint = false} : vector<1024x128xf32>, vector<128x256xf32>, vector<1024x256xf32> -> vector<1024x256xf32>
    %get3A_6 = arith.constant 0 : index
    %get3A_7 = arith.constant 0 : index
    %get3A_8 = vector.load %arg2[%get3A_6, %get3A_7] : memref<1024x8xf32, #tpu.memory_space<vmem>>, vector<1024x8xf32>
    %get3A_9 = arith.constant 0 : index
    %get3A_10 = arith.constant 0 : index
    %get3A_11 = vector.load %arg4[%get3A_9, %get3A_10] : memref<8x256xf32, #tpu.memory_space<vmem>>, vector<8x256xf32>
    %dot_general3A_12 = arith.constant dense<0.000000e+00> : vector<1024x256xf32>
    %dot_general3A_13 = tpu.matmul %get3A_8, %get3A_11, %dot_general3A_12 {dimension_numbers = #tpu.dot_dimension_numbers<[1], [0], [0], [1], [0, 0, 1, 1], [], []>, transpose_lhs_hint = false} : vector<1024x8xf32>, vector<8x256xf32>, vector<1024x256xf32> -> vector<1024x256xf32>
    %add3A = arith.addf %dot_general3A_5, %dot_general3A_13 : vector<1024x256xf32>
    %get3A_14 = arith.constant 0 : index
    %get3A_15 = arith.constant 0 : index
    %get3A_16 = vector.load %arg5[%get3A_14, %get3A_15] : memref<1x256xf32, #tpu.memory_space<vmem>>, vector<1x256xf32>
    %add3A_17 = vector.broadcast %get3A_16 : vector<1x256xf32> to vector<1024x256xf32>
    %add3A_18 = arith.addf %add3A, %add3A_17 : vector<1024x256xf32>
    %convert_element_type3A = arith.truncf %add3A_18 : vector<1024x256xf32> to vector<1024x256xbf16>
    %convert_element_type3A_19 = arith.extf %convert_element_type3A : vector<1024x256xbf16> to vector<1024x256xf32>
    %bitcast_convert_type3A = tpu.bitcast %convert_element_type3A_19 : vector<1024x256xf32> -> vector<1024x256xi32>
    %slice3A = vector.extract_strided_slice %bitcast_convert_type3A {offsets = [0, 0], sizes = [1024, 128], strides = [1, 1]} : vector<1024x256xi32> to vector<1024x128xi32>
    %shift_right_logical3A = arith.constant 16 : i32
    %shift_right_logical3A_20 = vector.broadcast %shift_right_logical3A : i32 to vector<1024x128xi32>
    %shift_right_logical3A_21 = arith.shrui %slice3A, %shift_right_logical3A_20 : vector<1024x128xi32>
    %slice3A_22 = vector.extract_strided_slice %bitcast_convert_type3A {offsets = [0, 128], sizes = [1024, 128], strides = [1, 1]} : vector<1024x256xi32> to vector<1024x128xi32>
    %shift_right_logical3A_23 = arith.constant 16 : i32
    %shift_right_logical3A_24 = vector.broadcast %shift_right_logical3A_23 : i32 to vector<1024x128xi32>
    %shift_right_logical3A_25 = arith.shrui %slice3A_22, %shift_right_logical3A_24 : vector<1024x128xi32>
    %shift_left3A = arith.constant 16 : i32
    %shift_left3A_26 = vector.broadcast %shift_left3A : i32 to vector<1024x128xi32>
    %shift_left3A_27 = arith.shli %shift_right_logical3A_25, %shift_left3A_26 : vector<1024x128xi32>
    %or3A = arith.ori %shift_left3A_27, %shift_right_logical3A_21 : vector<1024x128xi32>
    %swap3A = arith.constant 0 : index
    %swap3A_28 = arith.constant 0 : index
    %swap3A_29 = vector.load %arg6[%swap3A, %swap3A_28] : memref<1024x128xi32, #tpu.memory_space<vmem>>, vector<1024x128xi32>
    tpu.vector_store %arg6[%swap3A, %swap3A_28], %or3A {strides = array<i32>} : memref<1024x128xi32, #tpu.memory_space<vmem>>, vector<1024x128xi32>,
    return
  }
  func.func @transform_0(%arg0: i32) -> (i32, i32) {
    %c0_i32 = arith.constant 0 : i32
    %c0_i32_0 = arith.constant 0 : i32
    return %arg0, %c0_i32 : i32, i32
  }
  func.func @transform_1(%arg0: i32) -> (i32, i32) {
    %c0_i32 = arith.constant 0 : i32
    %c0_i32_0 = arith.constant 0 : i32
    return %arg0, %c0_i32 : i32, i32
  }
  func.func @transform_2(%arg0: i32) -> (i32, i32) {
    %c0_i32 = arith.constant 0 : i32
    %c0_i32_0 = arith.constant 0 : i32
    %c0_i32_1 = arith.constant 0 : i32
    return %c0_i32, %c0_i32_0 : i32, i32
  }
  func.func @transform_3(%arg0: i32) -> (i32, i32) {
    %c0_i32 = arith.constant 0 : i32
    %c0_i32_0 = arith.constant 0 : i32
    %c0_i32_1 = arith.constant 0 : i32
    return %c0_i32, %c0_i32_0 : i32, i32
  }
  func.func @transform_4(%arg0: i32) -> (i32, i32) {
    %c0_i32 = arith.constant 0 : i32
    %c0_i32_0 = arith.constant 0 : i32
    %c0_i32_1 = arith.constant 0 : i32
    return %c0_i32, %c0_i32_0 : i32, i32
  }
  func.func @transform_5(%arg0: i32) -> (i32, i32) {
    %c0_i32 = arith.constant 0 : i32
    %c0_i32_0 = arith.constant 0 : i32
    return %arg0, %c0_i32 : i32, i32
  }
}

module attributes {stable_mosaic.version = 14 : i64} {
  func.func @_mlp_body(%arg0: i32, %arg1: i32, %arg2: memref<1x1024x128xi32, #tpu.memory_space<vmem>>, %arg3: memref<1x32x8xf32, #tpu.memory_space<vmem>>, %arg4: memref<1x32x128xf32, #tpu.memory_space<vmem>>, %arg5: memref<8x256xf32, #tpu.memory_space<vmem>>, %arg6: memref<256x512xf32, #tpu.memory_space<vmem>>, %arg7: memref<128x512xf32, #tpu.memory_space<vmem>>, %arg8: memref<1x512xf32, #tpu.memory_space<vmem>>, %arg9: memref<1x512xf32, #tpu.memory_space<vmem>>, %arg10: memref<1x32x512xf32, #tpu.memory_space<vmem>>) attributes {dimension_semantics = [#tpu.dimension_semantics<parallel>, #tpu.dimension_semantics<parallel>], iteration_bounds = array<i64: 8, 16>, scalar_prefetch = 0 : i64, scratch_operands = 0 : i64, tpu.core_type = #tpu.core_type<tc>, window_params = [{transform_indices = @transform_0, window_bounds = array<i64: 1, 1024, 128>}, {transform_indices = @transform_1, window_bounds = array<i64: 1, 32, 8>}, {transform_indices = @transform_2, window_bounds = array<i64: 1, 32, 128>}, {pipeline_mode = #tpu.pipeline_mode<synchronous>, transform_indices = @transform_3, window_bounds = array<i64: 8, 256>}, {pipeline_mode = #tpu.pipeline_mode<synchronous>, transform_indices = @transform_4, window_bounds = array<i64: 256, 512>}, {pipeline_mode = #tpu.pipeline_mode<synchronous>, transform_indices = @transform_5, window_bounds = array<i64: 128, 512>}, {pipeline_mode = #tpu.pipeline_mode<synchronous>, transform_indices = @transform_6, window_bounds = array<i64: 1, 512>}, {pipeline_mode = #tpu.pipeline_mode<synchronous>, transform_indices = @transform_7, window_bounds = array<i64: 1, 512>}, {transform_indices = @transform_8, window_bounds = array<i64: 1, 32, 512>}]} {
    %get3A = arith.constant 0 : index
    %get3A_0 = arith.constant 0 : index
    %get3A_1 = arith.constant 0 : index
    %get3A_2 = vector.load %arg3[%get3A, %get3A_0, %get3A_1] : memref<1x32x8xf32, #tpu.memory_space<vmem>>, vector<1x32x8xf32>
    %get3A_3 = vector.shape_cast %get3A_2 : vector<1x32x8xf32> to vector<32x8xf32>
    %get3A_4 = arith.constant 0 : index
    %get3A_5 = arith.constant 0 : index
    %get3A_6 = vector.load %arg5[%get3A_4, %get3A_5] : memref<8x256xf32, #tpu.memory_space<vmem>>, vector<8x256xf32>
    %dot_general3A = arith.constant dense<0.000000e+00> : vector<32x256xf32>
    %dot_general3A_7 = tpu.matmul %get3A_3, %get3A_6, %dot_general3A {dimension_numbers = #tpu.dot_dimension_numbers<[1], [0], [0], [1], [0, 0, 1, 1], [], []>, transpose_lhs_hint = false} : vector<32x8xf32>, vector<8x256xf32>, vector<32x256xf32> -> vector<32x256xf32>
    %get3A_8 = arith.constant 0 : index
    %get3A_9 = arith.constant 0 : index
    %get3A_10 = arith.constant 0 : index
    %get3A_11 = vector.load %arg2[%get3A_8, %get3A_9, %get3A_10] : memref<1x1024x128xi32, #tpu.memory_space<vmem>>, vector<1x1024x128xi32>
    %get3A_12 = vector.shape_cast %get3A_11 : vector<1x1024x128xi32> to vector<1024x128xi32>
    %shift_left3A = arith.constant 16 : i32
    %shift_left3A_13 = vector.broadcast %shift_left3A : i32 to vector<1024x128xi32>
    %shift_left3A_14 = arith.shli %get3A_12, %shift_left3A_13 : vector<1024x128xi32>
    %bitcast_convert_type3A = tpu.bitcast %shift_left3A_14 : vector<1024x128xi32> -> vector<1024x128xf32>
    %shift_right_logical3A = arith.constant 16 : i32
    %shift_right_logical3A_15 = vector.broadcast %shift_right_logical3A : i32 to vector<1024x128xi32>
    %shift_right_logical3A_16 = arith.shrui %get3A_12, %shift_right_logical3A_15 : vector<1024x128xi32>
    %shift_left3A_17 = arith.constant 16 : i32
    %shift_left3A_18 = vector.broadcast %shift_left3A_17 : i32 to vector<1024x128xi32>
    %shift_left3A_19 = arith.shli %shift_right_logical3A_16, %shift_left3A_18 : vector<1024x128xi32>
    %bitcast_convert_type3A_20 = tpu.bitcast %shift_left3A_19 : vector<1024x128xi32> -> vector<1024x128xf32>
    %concatenate3A = tpu.concatenate %bitcast_convert_type3A, %bitcast_convert_type3A_20 in 1 : vector<1024x128xf32>, vector<1024x128xf32> -> vector<1024x256xf32>
    %reshape3A = vector.shape_cast %concatenate3A : vector<1024x256xf32> to vector<32x32x256xf32>
    %broadcast_in_dim3A = vector.shape_cast %dot_general3A_7 : vector<32x256xf32> to vector<32x1x256xf32>
    %sub3A = vector.broadcast %broadcast_in_dim3A : vector<32x1x256xf32> to vector<32x32x256xf32>
    %sub3A_21 = arith.subf %reshape3A, %sub3A : vector<32x32x256xf32>
    %max3A = arith.constant 0.000000e+00 : f32
    %max3A_22 = vector.broadcast %max3A : f32 to vector<32x32x256xf32>
    %max3A_23 = arith.maximumf %sub3A_21, %max3A_22 : vector<32x32x256xf32>
    %reshape3A_24 = vector.shape_cast %max3A_23 : vector<32x32x256xf32> to vector<1024x256xf32>
    %convert_element_type3A = arith.truncf %reshape3A_24 : vector<1024x256xf32> to vector<1024x256xbf16>
    %get3A_25 = arith.constant 0 : index
    %get3A_26 = arith.constant 0 : index
    %get3A_27 = vector.load %arg6[%get3A_25, %get3A_26] : memref<256x512xf32, #tpu.memory_space<vmem>>, vector<256x512xf32>
    %convert_element_type3A_28 = arith.truncf %get3A_27 : vector<256x512xf32> to vector<256x512xbf16>
    %dot_general3A_29 = arith.constant dense<0.000000e+00> : vector<1024x512xf32>
    %dot_general3A_30 = tpu.matmul %convert_element_type3A, %convert_element_type3A_28, %dot_general3A_29 {dimension_numbers = #tpu.dot_dimension_numbers<[1], [0], [0], [1], [0, 0, 1, 1], [], []>, transpose_lhs_hint = false} : vector<1024x256xbf16>, vector<256x512xbf16>, vector<1024x512xf32> -> vector<1024x512xf32>
    %reshape3A_31 = vector.shape_cast %dot_general3A_30 : vector<1024x512xf32> to vector<32x32x512xf32>
    %reduce_max3A = arith.constant dense<0xFF800000> : vector<32x512xf32>
    %reduce_max3A_32 = vector.multi_reduction <maximumf>, %reshape3A_31, %reduce_max3A [1] : vector<32x32x512xf32> to vector<32x512xf32>
    %get3A_33 = arith.constant 0 : index
    %get3A_34 = arith.constant 0 : index
    %get3A_35 = arith.constant 0 : index
    %get3A_36 = vector.load %arg4[%get3A_33, %get3A_34, %get3A_35] : memref<1x32x128xf32, #tpu.memory_space<vmem>>, vector<1x32x128xf32>
    %get3A_37 = vector.shape_cast %get3A_36 : vector<1x32x128xf32> to vector<32x128xf32>
    %convert_element_type3A_38 = arith.truncf %get3A_37 : vector<32x128xf32> to vector<32x128xbf16>
    %get3A_39 = arith.constant 0 : index
    %get3A_40 = arith.constant 0 : index
    %get3A_41 = vector.load %arg7[%get3A_39, %get3A_40] : memref<128x512xf32, #tpu.memory_space<vmem>>, vector<128x512xf32>
    %convert_element_type3A_42 = arith.truncf %get3A_41 : vector<128x512xf32> to vector<128x512xbf16>
    %dot_general3A_43 = arith.constant dense<0.000000e+00> : vector<32x512xf32>
    %dot_general3A_44 = tpu.matmul %convert_element_type3A_38, %convert_element_type3A_42, %dot_general3A_43 {dimension_numbers = #tpu.dot_dimension_numbers<[1], [0], [0], [1], [0, 0, 1, 1], [], []>, transpose_lhs_hint = false} : vector<32x128xbf16>, vector<128x512xbf16>, vector<32x512xf32> -> vector<32x512xf32>
    %get3A_45 = arith.constant 0 : index
    %get3A_46 = arith.constant 0 : index
    %get3A_47 = vector.load %arg8[%get3A_45, %get3A_46] : memref<1x512xf32, #tpu.memory_space<vmem>>, vector<1x512xf32>
    %add3A = vector.broadcast %get3A_47 : vector<1x512xf32> to vector<32x512xf32>
    %add3A_48 = arith.addf %reduce_max3A_32, %add3A : vector<32x512xf32>
    %add3A_49 = arith.addf %add3A_48, %dot_general3A_44 : vector<32x512xf32>
    %get3A_50 = arith.constant 0 : index
    %get3A_51 = arith.constant 0 : index
    %get3A_52 = vector.load %arg9[%get3A_50, %get3A_51] : memref<1x512xf32, #tpu.memory_space<vmem>>, vector<1x512xf32>
    %add3A_53 = vector.broadcast %get3A_52 : vector<1x512xf32> to vector<32x512xf32>
    %add3A_54 = arith.addf %add3A_49, %add3A_53 : vector<32x512xf32>
    %max3A_55 = arith.constant 0.000000e+00 : f32
    %max3A_56 = vector.broadcast %max3A_55 : f32 to vector<32x512xf32>
    %max3A_57 = arith.maximumf %add3A_54, %max3A_56 : vector<32x512xf32>
    %swap3A = arith.constant 0 : index
    %swap3A_58 = arith.constant 0 : index
    %swap3A_59 = arith.constant 0 : index
    %swap3A_60 = vector.load %arg10[%swap3A, %swap3A_58, %swap3A_59] : memref<1x32x512xf32, #tpu.memory_space<vmem>>, vector<1x32x512xf32>
    %swap3A_61 = vector.shape_cast %swap3A_60 : vector<1x32x512xf32> to vector<32x512xf32>
    %swap3A_62 = vector.shape_cast %max3A_57 : vector<32x512xf32> to vector<1x32x512xf32>
    tpu.vector_store %arg10[%swap3A, %swap3A_58, %swap3A_59], %swap3A_62 {strides = array<i32>} : memref<1x32x512xf32, #tpu.memory_space<vmem>>, vector<1x32x512xf32>,
    return
  }
  func.func @transform_0(%arg0: i32, %arg1: i32) -> (i32, i32, i32) {
    %c0_i32 = arith.constant 0 : i32
    %c0_i32_0 = arith.constant 0 : i32
    return %arg0, %arg1, %c0_i32 : i32, i32, i32
  }
  func.func @transform_1(%arg0: i32, %arg1: i32) -> (i32, i32, i32) {
    %c0_i32 = arith.constant 0 : i32
    %c0_i32_0 = arith.constant 0 : i32
    return %arg0, %arg1, %c0_i32 : i32, i32, i32
  }
  func.func @transform_2(%arg0: i32, %arg1: i32) -> (i32, i32, i32) {
    %c0_i32 = arith.constant 0 : i32
    %c0_i32_0 = arith.constant 0 : i32
    return %arg0, %arg1, %c0_i32 : i32, i32, i32
  }
  func.func @transform_3(%arg0: i32, %arg1: i32) -> (i32, i32) {
    %c0_i32 = arith.constant 0 : i32
    %c0_i32_0 = arith.constant 0 : i32
    %c0_i32_1 = arith.constant 0 : i32
    return %c0_i32, %c0_i32_0 : i32, i32
  }
  func.func @transform_4(%arg0: i32, %arg1: i32) -> (i32, i32) {
    %c0_i32 = arith.constant 0 : i32
    %c0_i32_0 = arith.constant 0 : i32
    %c0_i32_1 = arith.constant 0 : i32
    return %c0_i32, %c0_i32_0 : i32, i32
  }
  func.func @transform_5(%arg0: i32, %arg1: i32) -> (i32, i32) {
    %c0_i32 = arith.constant 0 : i32
    %c0_i32_0 = arith.constant 0 : i32
    %c0_i32_1 = arith.constant 0 : i32
    return %c0_i32, %c0_i32_0 : i32, i32
  }
  func.func @transform_6(%arg0: i32, %arg1: i32) -> (i32, i32) {
    %c0_i32 = arith.constant 0 : i32
    %c0_i32_0 = arith.constant 0 : i32
    %c0_i32_1 = arith.constant 0 : i32
    return %c0_i32, %c0_i32_0 : i32, i32
  }
  func.func @transform_7(%arg0: i32, %arg1: i32) -> (i32, i32) {
    %c0_i32 = arith.constant 0 : i32
    %c0_i32_0 = arith.constant 0 : i32
    %c0_i32_1 = arith.constant 0 : i32
    return %c0_i32, %c0_i32_0 : i32, i32
  }
  func.func @transform_8(%arg0: i32, %arg1: i32) -> (i32, i32, i32) {
    %c0_i32 = arith.constant 0 : i32
    %c0_i32_0 = arith.constant 0 : i32
    return %arg0, %arg1, %c0_i32 : i32, i32, i32
  }
}

</mosaic_0001>

<sc_bundles>
// kernel: kernel.7.cloned.1.call-start
scs
__scs_entry_jumppad:
0x0: {  	(pc) =	sbr.rel $0x88, $3  }
0x1: {  	(tag) =	ssettag $0x0;
	lr =	simm.s32 $0x1  }
0x2: {  	[smem:$0x3F99] =	sst lr;
	_ =	strace $0xD0000000  }
0x3: {  	_ = 	snop  }
0x4: {  	_ = 	snop  }
0x5: {  	_ = 	snop  }
0x6: {  	_ = 	snop  }
0x7: {  	_ = 	snop  }
__scs_overlays_trampoline_lowered:
0x8: {  	[smem:$0x3FA8] =	sst s0  }
0x9: {  	[smem:$0x3FA9] =	sst s1  }
0xa: {  	[smem:$0x3FAA] =	sst s2  }
0xb: {  	[smem:$0x3FAB] =	sst s3  }
0xc: {  	[smem:$0x3FAC] =	sst s4  }
0xd: {  	[smem:$0x3FAD] =	sst s5  }
0xe: {  	[smem:$0x3FAE] =	sst s6  }
0xf: {  	[smem:$0x3FAF] =	sst s7  }
0x10: {  	[smem:$0x3FB0] =	sst s8  }
0x11: {  	[smem:$0x3FB1] =	sst s9;
	s0 =	simm.s32 @!p0 $0x0  }
0x12: {  	s1 =	sld [smem:$0x3F97];
	s0 =	simm.s32 @p0 $0x1  }
0x13: {  	[smem:$0x3FB2] =	sst s0;
	s0 =	simm.s32 @!p1 $0x0  }
0x14: {  	s2 =	sld [smem:$0x3F96];
	s0 =	simm.s32 @p1 $0x1  }
0x15: {  	[smem:$0x3FB3] =	sst s0;
	s0 =	simm.s32 @!p2 $0x0  }
0x16: {  	s3 =	sld [smem:$0x3FDB];
	s0 =	simm.s32 @p2 $0x1  }
0x17: {  	s4 =	simm.s32 $0x1BF5;
	[smem:$0x3FB5] =	sst s0  }
0x18: {  	s0 =	sld [smem:$0x3F98];
	_ =	swait.ge [sflag:s4], $0x0  }
0x19: {  	s7 =	sld [smem:$0x3F99]  }
0x1a: {  	s8 =	sadd.s32 $0xFFFFE003, lr  }
0x1b: {  	s9 =	sadd.s32 $0xFFFFFEF7, lr;
	s5 =	simm.s32 $0xFFFFFFFF;
	p2 =	slt.u32 s8, $0xFFFFF086  }
0x1c: {  	p1 =	slt.u32 s9, $0xF7A;
	s5 =	simm.s32 @!p2 $0x0  }
0x1d: {  	s5 =	simm.s32 @p1 $0x1;
	p0 =	seq.s32 s7, s2  }
0x1e: {  	s7 =	smul.u32 @!p0 $0xF7A, s2;
	p2 =	seq.s32 @!p0 s5, $0x0  }
0x1f: {  	s9 =	smul.u32 $0xF7A, s1;
	s8 =	simm.s32 @!p0 $0x1BF5;
	p2 =	por !p2, p0  }
0x20: {  	[sflag:s8] =	ssyncset.s32 @!p0 $0xFFFFF086;
	s6 =	sadd.s32 @!p0 s3, s7;
	s7 =	simm.s32 @!p0 $0x108  }
0x21: {  	s3 =	sadd.s32 s3, s9;
	s6 =	sadd.s32 @!p0 $0x88, s6;
	s7 =	simm.s32 @p2 $0x1082  }
0x22: {  	[simem:s7], [sflag:s8] =	dma.local @!p0 [hbm:s6], $0xF7A  }
0x23: {  	s9 =	sor.u32 $0xD0000000, s2;
	s6 =	simm.s32 $0x108;
	_ =	swait.ge @!p0 [sflag:s8], $0x0  }
0x24: {  	s3 =	sadd.s32 $0x88, s3;
	s6 =	simm.s32 @!p1 $0x1082;
	[sflag:s4] =	ssyncset.s32 $0xFFFFF086  }
0x25: {  	[simem:s6], [sflag:s4] =	dma.local [hbm:s3], $0xF7A  }
0x26: {  	[smem:$0x3F99] =	sst s1;
	(tag) =	ssettag s2;
	_ =	strace s9  }
0x27: {  	s1 =	sld [smem:$0x3FA9]  }
0x28: {  	s2 =	sld [smem:$0x3FAA]  }
0x29: {  	s4 =	sld [smem:$0x3FAC]  }
0x2a: {  	p0 =	seq.s32 s5, $0x0;
	s5 =	sld [smem:$0x3FAD]  }
0x2b: {  	s6 =	sld [smem:$0x3FAE]  }
0x2c: {  	s7 =	sld [smem:$0x3FAF]  }
0x2d: {  	s3 =	simm.s32 $0x108;
	s8 =	sld [smem:$0x3FB0]  }
0x2e: {  	s3 =	simm.s32 @!p0 $0x1082;
	s9 =	sld [smem:$0x3FB1]  }
0x2f: {  	lr =	sadd.s32 s0, s3;
	s0 =	sld [smem:$0x3FA8]  }
0x30: {  	s3 =	sld [smem:$0x3FAB]  }
0x31: {  	[smem:$0x3FB4] =	sst s10  }
0x32: {  	s10 =	sld [smem:$0x3FB2];
	_ =	sdelay $0x3  }
0x33: {  	p0 =	seq.s32 s10, $0x1;
	s10 =	sld [smem:$0x3FB4];
	_ =	sdelay $0x3  }
0x34: {  	[smem:$0x3FB4] =	sst s10  }
0x35: {  	s10 =	sld [smem:$0x3FB3];
	_ =	sdelay $0x3  }
0x36: {  	p1 =	seq.s32 s10, $0x1;
	s10 =	sld [smem:$0x3FB4];
	_ =	sdelay $0x3  }
0x37: {  	[smem:$0x3FB4] =	sst s10  }
0x38: {  	s10 =	sld [smem:$0x3FB5]  }
0x39: {  	_ = 	snop;
	(pc) =	sbr.ind lr, $3  }
0x3a: {  	_ = 	snop  }
0x3b: {  	_ = 	snop  }
0x3c: {  	p2 =	seq.s32 s10, $0x1;
	s10 =	sld [smem:$0x3FB4]  }
0x3d: {  	_ =	shalt  }
0x3e: {  	_ =	shalt  }
0x3f: {  	_ =	shalt  }
0x40: {  	_ =	shalt  }
0x41: {  	_ =	shalt  }
0x42: {  	_ =	shalt  }
0x43: {  	_ =	shalt  }
0x44: {  	_ =	shalt  }
0x45: {  	_ =	shalt  }
0x46: {  	_ =	shalt  }
0x47: {  	_ =	shalt  }
0x48: {  	_ =	shalt  }
0x49: {  	_ =	shalt  }
0x4a: {  	_ =	shalt  }
0x4b: {  	_ =	shalt  }
0x4c: {  	_ =	shalt  }
0x4d: {  	_ =	shalt  }
0x4e: {  	_ =	shalt  }
0x4f: {  	_ =	shalt  }
0x50: {  	_ =	shalt  }
0x51: {  	_ =	shalt  }
0x52: {  	_ =	shalt  }
0x53: {  	_ =	shalt  }
0x54: {  	_ =	shalt  }
0x55: {  	_ =	shalt  }
0x56: {  	_ =	shalt  }
0x57: {  	_ =	shalt  }
0x58: {  	_ =	shalt  }
0x59: {  	_ =	shalt  }
0x5a: {  	_ =	shalt  }
0x5b: {  	_ =	shalt  }
0x5c: {  	_ =	shalt  }
0x5d: {  	_ =	shalt  }
0x5e: {  	_ =	shalt  }
0x5f: {  	_ =	shalt  }
0x60: {  	_ =	shalt  }
0x61: {  	_ =	shalt  }
0x62: {  	_ =	shalt  }
0x63: {  	_ =	shalt  }
0x64: {  	_ =	shalt  }
0x65: {  	_ =	shalt  }
0x66: {  	_ =	shalt  }
0x67: {  	_ =	shalt  }
0x68: {  	_ =	shalt  }
0x69: {  	_ =	shalt  }
0x6a: {  	_ =	shalt  }
0x6b: {  	_ =	shalt  }
0x6c: {  	_ =	shalt  }
0x6d: {  	_ =	shalt  }
0x6e: {  	_ =	shalt  }
0x6f: {  	_ =	shalt  }
0x70: {  	_ =	shalt  }
0x71: {  	_ =	shalt  }
0x72: {  	_ =	shalt  }
0x73: {  	_ =	shalt  }
0x74: {  	_ =	shalt  }
0x75: {  	_ =	shalt  }
0x76: {  	_ =	shalt  }
0x77: {  	_ =	shalt  }
0x78: {  	_ =	shalt  }
0x79: {  	_ =	shalt  }
0x7a: {  	_ =	shalt  }
0x7b: {  	_ =	shalt  }
0x7c: {  	_ =	shalt  }
0x7d: {  	_ =	shalt  }
0x7e: {  	_ =	shalt  }
0x7f: {  	_ =	shalt  }
0x80: {  	_ =	shalt  }
0x81: {  	_ =	shalt  }
0x82: {  	_ =	shalt  }
0x83: {  	_ =	shalt  }
0x84: {  	_ =	shalt  }
0x85: {  	_ =	shalt  }
0x86: {  	_ =	shalt  }
0x87: {  	_ =	shalt  }
.Lfunc_end0:
.L_simem_size_0:
called_computation_lowered:
.L_overlay_start_0:
0x88: {  	s2 =	sld [smem:$0x3FD9]  }
0x89: {  	s3 =	sld [smem:$0x3FFE];
	_ =	sdelay $0x1  }
0x8a: {  	s1 =	srdreg.scid  }
0x8b: {  	s0 =	sand.u32 $0x1, s1  }
0x8c: {  	s14 =	sshll.u32 s0, $0xA;
	s2 =	sadd.s32 s3, s2  }
0x8d: {  	s2 =	sadd.s32 s2, s14  }
0x8e: {  	[smem:$0x3FC0] =	sst s2  }
0x8f: {  	_ = 	snop  }
0x90: {  	s2 =	sld [smem:$0x3FD0];
	_ =	sdelay $0x2  }
0x91: {  	s4 =	simm.s32 $0xA;
	s5 =	simm.s32 $0x10;
	s15 =	sld [smem:$0x3FC8]  }
0x92: {  	[smem:s5], [sflag:s4] =	dma.local [hbm:s2], $0x1  }
0x93: {  	_ =	swait.eq [sflag:s4], $0x1  }
0x94: {  	[sflag:s4] =	ssyncset.done $0x0  }
0x95: {  	[sflag:s4] =	ssyncadd.s32 $0xFFFFFFFF  }
0x96: {  	s16 =	sld [smem:$0x11];
	(tm) =	ssettm $0x1  }
0x97: {  	s17 =	sld [smem:$0x3FFB];
	_ =	sdelay $0x3  }
0x98: {  	_ =	strace s17  }
0x99: {  	s4 =	sld [smem:$0x3FFC];
	_ =	sdelay $0x3  }
0x9a: {  	_ =	strace s4  }
0x9b: {  	s4 =	sld [smem:$0x3FFD];
	_ =	sdelay $0x3  }
0x9c: {  	_ =	strace s4  }
0x9d: {  	_ =	strace $0x8FFFFFFF  }
0x9e: {  	s18 =	sld [smem:$0x3FDB];
	_ =	sdelay $0x1  }
0x9f: {  	s19 =	simm.s32 $_scs_section_size  }
0xa0: {  	s6 =	simm.s32 $_size__tile_overlayer_lowered;
	s7 =	simm.s32 $_tile_overlayer_lowered  }
0xa1: {  	s22 =	simm.s32 $0x1BFF;
	s21 =	sshll.u32 s7, $0x1;
	s4 =	sadd.s32 s19, s18  }
0xa2: {  	s8 =	simm.s32 $0x0;
	s20 =	sshll.u32 s6, $0x1;
	s6 =	sadd.s32 s21, s4  }
0xa3: {  	[timem:s8], [sflag:s22] =	dma.local [hbm:s6], s20  }
0xa4: {  	_ =	swait.ge [sflag:s22], s20  }
0xa5: {  	s5 =	ssub.s32 $0x0, s20;
	[sflag:s22] =	ssyncset.done $0x0  }
0xa6: {  	[sflag:s22] =	ssyncadd.s32 s5;
	_ =	sdelay $0x1  }
0xa7: {  	s23 =	simm.s32 $0x1B8B  }
0xa8: {  	_ =	swait.ge [sflag:s23], $0x1  }
0xa9: {  	[sflag:s23] =	ssyncset.done $0x0  }
0xaa: {  	s25 =	simm.s32 $0x1B8E;
	s24 =	sld [smem:$0x3FFE];
	[sflag:s23] =	ssyncadd.s32 $0xFFFFFFFF  }
0xab: {  	s26 =	simm.s32 $execute0_lowered;
	[smem:$0x3FD2] =	sst s25  }
0xac: {  	s6 =	sshll.u32 s26, $0x1;
	_ =	strace $0x80000046;
	[dreg:$0x1] =	wrdreg $0xFFFFFFFF  }
0xad: {  	s28 =	simm.s32 $_size_execute0_lowered;
	s4 =	sadd.s32 s4, s6;
	[dreg:$0x0] =	wrdreg $0x0  }
0xae: {  	s6 =	sshll.u32 s28, $0x1;
	[dreg:$0x2] =	wrdreg s4  }
0xaf: {  	[dreg:$0x3] =	wrdreg s6  }
0xb0: {  	[dreg:$0x4] =	wrdreg $0xC0  }
0xb1: {  	_ =	task [dreg:s8], $0x5FFFF  }
0xb2: {  	[dreg:$0x1] =	wrdreg $0xFFFFFFFF  }
0xb3: {  	[dreg:$0x0] =	wrdreg $0x60  }
0xb4: {  	[dreg:$0x2] =	wrdreg s24  }
0xb5: {  	[dreg:$0x3] =	wrdreg s15  }
0xb6: {  	[dreg:$0x4] =	wrdreg s16  }
0xb7: {  	[dreg:$0x5] =	wrdreg $0x9  }
0xb8: {  	_ =	task.clear_ibuf [dreg:s8], $0x6FFFF;
	_ =	strace $0x90000046  }
0xb9: {  	s29 =	simm.s32 $0x9;
	_ =	strace $0x80000048  }
0xba: {  	_ =	swait.ge [sflag:s29], $0x1  }
0xbb: {  	[sflag:s29] =	ssyncadd.s32 $0xFFFFFFFF  }
0xbc: {  	_ =	strace $0x90000048  }
0xbd: {  	_ =	sfence  }
0xbe: {  	s30 =	sld [smem:$0x0];
	_ =	sdelay $0x2  }
0xbf: {  	s31 =	sshll.u32 s1, $0xD;
	s1 =	sshrl.u32 s1, $0x2  }
0xc0: {  	s3 =	sand.u32 $0x4000, s31;
	s1 =	sadd.s32 s1, s30  }
0xc1: {  	s0 =	sor.u32 s3, s0;
	s1 =	sshll.u32 s1, $0x11  }
0xc2: {  	s0 =	sor.u32 s1, s0  }
0xc3: {  	s0 =	sadd.s32 $0x8F2B, s0  }
0xc4: {  	[sflag:s0] =	ssyncadd.remote.s32 $0x1  }
0xc5: {  	_ =	sfence.sel $0xFFFF  }
0xc6: {  	[dreg:$0x0] =	wrdreg $0xFFFFFFFF;
	(pc) =	sbr.abs _section_cstart, $3  }
0xc7: {  	[dreg:$0x1] =	wrdreg $0xFFFFFFFF  }
0xc8: {  	_ =	task.clear_ibuf [dreg:s8], $0x2FFFF;
	_ =	strace $0x9FFFFFFF  }
0xc9: {  	(tm) =	ssettm $0x7FFFFFFF  }
tec
execute0_lowered:
.L_overlay_start_1:
0x0: {  	(tag) =	ssettag $0x1  }
0x1: {  	s5 =	rddreg [dreg:$0x0]  }
0x2: {  	s2 =	rddreg [dreg:$0x1]  }
0x3: {  	s6 =	rddreg [dreg:$0x2];
	s3 =	srdreg.scid  }
0x4: {  	s0 =	rddreg [dreg:$0x3];
	s1 =	stileid.u32  }
0x5: {  	s13 =	simm.s32 $0x4100;
	s14 =	simm.s32 $0x1;
	s15 =	simm.s32 $0x0  }
0x6: {  	s7 =	sand.u32 $0x1, s3;
	s3 =	simm.s32 $0x0;
	s4 =	sshll.u32 s1, $0xD  }
0x7: {  	s9 =	sshll.u32 s1, $0x1;
	s11 =	sshll.u32 s1, $0x11;
	s8 =	sshll.u32 s7, $0xC  }
0x8: {  	[smem:$0x7FF] =	sst s3;
	s29 =	sor.u32 s7, s9;
	s12 =	ssub.s32 $0x2, s7  }
0x9: {  	s11 =	sadd.s32 s11, s5;
	s7 =	sshll.u32 s7, $0x10;
	s4 =	sor.u32 s8, s4  }
0xa: {  	_ =	strace $0x80000047;
	s9 =	sshll.u32 s29, $0x4;
	s30 =	sshrl.u32 s12, $0x1  }
0xb: {  	s31 =	sadd.s32 s7, s11;
	s11 =	simm.s32 $0x2;
	s8 =	sshrl.u32 s4, $0x3  }
0xc: {  	s4 =	sadd.s32 $0x6600, s5;
	s9 =	sadd.s32 s9, s5;
	s12 =	ssub.s32 s12, s30  }
0xd: {  	s10 =	sadd.s32 s8, s5;
	s8 =	sshll.u32 s29, $0xB;
	s5 =	sadd.s32 $0x6400, s9  }
0xe: {  	s7 =	smax.u32 s12, $0x1;
	s12 =	simm.s32 $0x80;
	s6 =	sadd.s32 s6, s8  }
0xf: {  	s8 =	sadd.s32 $0x86600, s31;
	s9 =	sadd.s32 $0x2400, s10;
	s10 =	simm.s32 $0x4080  }
.LBB2_1:
0x10: {  	[tilespmem:s10], [sflag:$0x2] =	stream.linear.gather [hbm4b:s5+s3], $0x80, $0x38;
	[tilespmem:$0x8100] =	vst v63  }
0x11: {  	_ =	swait.ge [sflag:s11], $0x80  }
0x12: {  	[sflag:s11] =	ssyncset.done $0x0  }
0x13: {  	[sflag:s11] =	ssyncadd.s32 $0xFFFFFF80  }
0x14: {  	[tilespmem:s13], [sflag:$0x1] =	stream.indirect.gather [hbm4b:s2+s12], $0x80, s10, s12, $0xb8;
	[tilespmem:$0x8100] =	vst v63  }
0x15: {  	_ =	swait.ge [sflag:s14], $0x4000  }
0x16: {  	[sflag:s14] =	ssyncset.done $0x0  }
0x17: {  	[sflag:s14] =	ssyncadd.s32 $0xFFFFC000  }
0x18: {  	[hbm4b:s6+s3] =	stream.linear.scatter [tilespmem:s13], [sflag:$0x2], $0x4000, $0x38;
	[tilespmem:$0x8100] =	vst v63  }
0x19: {  	_ =	swait.ge [sflag:s11], $0x4000  }
0x1a: {  	[sflag:s11] =	ssyncset.done $0x0  }
0x1b: {  	s16 =	sadd.s32 $0x0, s9;
	[sflag:s11] =	ssyncadd.s32 $0xFFFFC000  }
0x1c: {  	[tilespmem:s3], [sflag:$0x2] =	stream.linear.gather [hbm4b:s16+s3], $0x80, $0x38;
	[tilespmem:$0x8100] =	vst v63  }
0x1d: {  	_ =	swait.ge [sflag:s11], $0x80  }
0x1e: {  	[sflag:s11] =	ssyncset.done $0x0  }
0x1f: {  	[sflag:s11] =	ssyncadd.s32 $0xFFFFFF80  }
0x20: {  	[tilespmem:s12], [sflag:$0x1] =	stream.indirect.gather [hbm4b:s4+s12], $0x80, s3, s12, $0xb8;
	[tilespmem:$0x8100] =	vst v63  }
0x21: {  	_ =	swait.ge [sflag:s14], $0x4000  }
0x22: {  	[sflag:s14] =	ssyncset.done $0x0  }
0x23: {  	[sflag:s14] =	ssyncadd.s32 $0xFFFFC000  }
0x24: {  	[hbm4b:s8+s3] =	stream.linear.scatter [tilespmem:s12], [sflag:$0x2], $0x4000, $0x38;
	[tilespmem:$0x8100] =	vst v63  }
0x25: {  	s17 =	simm.s32 $0x10;
	_ =	swait.ge [sflag:s11], $0x4000  }
0x26: {  	s18 =	simm.s32 $0x20;
	s16 =	sadd.s32 $0x800, s8;
	[sflag:s11] =	ssyncset.done $0x0  }
.LBB2_2:
0x27: {  	s19 =	sadd.s32 s17, s9  }
0x28: {  	[sflag:s11] =	ssyncadd.s32 $0xFFFFC000;
	s17 =	smov.u32 s18;
	s20 =	sadd.s32 $0x10, s18  }
0x29: {  	[tilespmem:s3], [sflag:$0x2] =	stream.linear.gather [hbm4b:s19+s3], $0x80, $0x38;
	[tilespmem:$0x8100] =	vst v63  }
0x2a: {  	p0 =	sne.s32 s18, $0x1F0;
	_ =	swait.ge [sflag:s11], $0x80  }
0x2b: {  	[sflag:s11] =	ssyncset.done $0x0  }
0x2c: {  	[sflag:s11] =	ssyncadd.s32 $0xFFFFFF80  }
0x2d: {  	[tilespmem:s12], [sflag:$0x1] =	stream.indirect.gather [hbm4b:s4+s12], $0x80, s3, s12, $0xb8;
	[tilespmem:$0x8100] =	vst v63  }
0x2e: {  	_ =	swait.ge [sflag:s14], $0x4000  }
.Ltmp0:
0x2f: {  	[sflag:s14] =	ssyncset.done $0x0;
	(pc) =	sbr.rel @p0 .LBB2_2-.Ltmp0, $4  }
0x30: {  	[sflag:s14] =	ssyncadd.s32 $0xFFFFC000  }
0x31: {  	[hbm4b:s16+s3] =	stream.linear.scatter [tilespmem:s12], [sflag:$0x2], $0x4000, $0x38;
	[tilespmem:$0x8100] =	vst v63  }
0x32: {  	_ =	swait.ge [sflag:s11], $0x4000  }
0x33: {  	s18 =	smov.u32 s20;
	s16 =	sadd.s32 $0x800, s16;
	[sflag:s11] =	ssyncset.done $0x0  }
0x34: {  	s17 =	sadd.s32 s17, s9;
	[sflag:s11] =	ssyncadd.s32 $0xFFFFC000  }
0x35: {  	[tilespmem:s3], [sflag:$0x2] =	stream.linear.gather [hbm4b:s17+s3], $0x80, $0x38;
	[tilespmem:$0x8100] =	vst v63  }
0x36: {  	_ =	swait.ge [sflag:s11], $0x80  }
0x37: {  	[sflag:s11] =	ssyncset.done $0x0  }
0x38: {  	[sflag:s11] =	ssyncadd.s32 $0xFFFFFF80  }
0x39: {  	[tilespmem:s12], [sflag:$0x1] =	stream.indirect.gather [hbm4b:s4+s12], $0x80, s3, s12, $0xb8;
	[tilespmem:$0x8100] =	vst v63  }
0x3a: {  	s15 =	sadd.s32 $0x1, s15;
	_ =	swait.ge [sflag:s14], $0x4000  }
0x3b: {  	p0 =	sne.s32 s15, s7;
	[sflag:s14] =	ssyncset.done $0x0  }
.Ltmp1:
0x3c: {  	[sflag:s14] =	ssyncadd.s32 $0xFFFFC000;
	(pc) =	sbr.rel @p0 .LBB2_1-.Ltmp1, $4  }
0x3d: {  	[hbm4b:s16+s3] =	stream.linear.scatter [tilespmem:s12], [sflag:$0x2], $0x4000, $0x38;
	[tilespmem:$0x8100] =	vst v63  }
0x3e: {  	_ =	swait.ge [sflag:s11], $0x4000  }
0x3f: {  	[sflag:s11] =	ssyncset.done $0x0  }
0x40: {  	[sflag:s11] =	ssyncadd.s32 $0xFFFFC000  }
0x41: {  	_ =	sfence.sel $0x180000  }
0x42: {  	[bflag:$0x0] =	sbarrier.arrive $0xFFFF  }
0x43: {  	p0 =	sne.s32 s1, $0x0;
	_ =	strace $0x90000047  }
0x44: {  	s0 =	sadd.s32 @!p0 $0x100000, s0;
	[bflag:$0x2] =	sbarrier.arrive $0xFFFF  }
0x45: {  	[sflag:s0] =	ssyncadd.tile.s32 @!p0 $0x1;
	_ =	shalt  }
.Lfunc_end2:
_tile_overlayer_lowered:
.L_overlay_start_2:
0x46: {  	(tag) =	ssettag $0x2  }
0x47: {  	s0 =	rddreg [dreg:$0x0];
	s2 =	stileid.u32  }
0x48: {  	s1 =	rddreg [dreg:$0x1];
	p0 =	sne.s32 s2, $0x0  }
0x49: {  	s3 =	rddreg [dreg:$0x2];
	[bflag:$0x3] =	sbarrier.arrive $0xFFFF;
	s2 =	simm.s32 @!p0 $0x1C02  }
0x4a: {  	[timem:s3], [sflag:s2] =	dma.local @!p0 [hbm:s0], s1  }
0x4b: {  	s0 =	simm.s32 @!p0 $0x2  }
0x4c: {  	_ =	swait.ge @!p0 [sflag:s0], s1  }
0x4d: {  	s1 =	ssub.s32 @!p0 $0x0, s1;
	[sflag:s0] =	ssyncset.done @!p0 $0x0  }
0x4e: {  	[sflag:s0] =	ssyncadd.s32 @!p0 s1  }
0x4f: {  	[bflag:$0x3] =	sbarrier.arrive $0xFFFF  }
0x50: {  	_ =	shalt  }

</sc_bundles>
